<compile_context>
chip_gen: v7x
topology: tpu7x:2x2x1
jax: 0.10.2.dev20260603
libtpu: 0.0.44.dev20260713+nightly
codegen_flags: <defaults>
</compile_context>

<pallas_src>
import functools
import math

import jax
import jax.numpy as jnp
import numpy as np
from jax import lax
from jax.experimental import pallas as pl
from jax.experimental.pallas import tpu as pltpu
from jax.experimental.pallas import tpu_sc as plsc

N_BINS = 8
LANES = 16
NC = 2
NS = 16
NW = NC * NS

_TWO_PI = np.float32(2.0 * math.pi)
_INV_BIN = np.float32(N_BINS / (2.0 * math.pi))

_MESH = plsc.VectorSubcoreMesh(core_axis_name="c", subcore_axis_name="s")
_SC_PARAMS = pltpu.CompilerParams(needs_layout_passes=False)


def _worker_id():
    return lax.axis_index("s") * NC + lax.axis_index("c")


def _make_encode_kernel(n_rows, n_cols):
    rows_per_w = n_rows // NW
    rch = 2
    cw = rch * n_cols
    ow = cw * N_BINS
    nch = rows_per_w // rch
    n_tiles = n_cols // 128

    @functools.partial(
        pl.kernel,
        out_type=jax.ShapeDtypeStruct((n_rows * n_cols * N_BINS,), jnp.float32),
        mesh=_MESH,
        scratch_types=[
            pltpu.VMEM((rch * n_tiles, 128), jnp.float32),
            pltpu.VMEM((rch * n_tiles, 128), jnp.float32),
            pltpu.VMEM((ow,), jnp.float32),
            pltpu.VMEM((ow,), jnp.float32),
            pltpu.VMEM((16, 8, 128), jnp.float32),
            pltpu.VMEM((LANES,), jnp.float32),
            pltpu.VMEM((cw,), jnp.int32),
            pltpu.VMEM((cw,), jnp.int32),
            pltpu.SemaphoreType.DMA,
            pltpu.SemaphoreType.DMA,
            pltpu.SemaphoreType.DMA,
            pltpu.SemaphoreType.DMA,
        ],
        compiler_params=_SC_PARAMS,
    )
    def encode_kernel(x_hbm, out_hbm,
                      xb0, xb1, ob0, ob1, sbuf, mbuf, ix0, ix1,
                      si0, si1, so0, so1):
        wid = _worker_id()
        row0 = wid * rows_per_w
        out_base = row0 * n_cols * N_BINS
        xbufs = (xb0, xb1)
        obufs = (ob0, ob1)
        ixbufs = (ix0, ix1)
        isems = (si0, si1)
        osems = (so0, so1)

        lane = lax.iota(jnp.int32, LANES)
        ones = jnp.full((LANES,), 1.0, jnp.float32)
        zeros = jnp.zeros((LANES,), jnp.float32)

        scan_chunk = 16 * 8 * 128
        n_scan = (n_rows * n_cols) // scan_chunk

        def scond(carry):
            c, found = carry
            return jnp.logical_and(c < n_scan, jnp.logical_not(found))

        def sbody(carry):
            c, found = carry
            pltpu.sync_copy(x_hbm.at[c], sbuf)

            def vbody(i, a):
                return jnp.minimum(
                    a, sbuf[i >> 6, (i >> 3) & 7, pl.ds((i & 7) << 4, LANES)]
                )

            acc = lax.fori_loop(
                0, scan_chunk // LANES, vbody,
                jnp.full((LANES,), jnp.inf, jnp.float32), unroll=8,
            )
            for stride in (8, 4, 2, 1):
                mbuf[...] = acc
                acc = jnp.minimum(acc, plsc.load_gather(mbuf, [lane ^ stride]))
            return c + 1, acc[0] < 0.0

        _, neg = lax.while_loop(scond, sbody, (jnp.int32(0), jnp.bool_(False)))
        off = jnp.where(neg, ones, zeros)

        def start_in(c, xb, sem):
            for ri in range(rch):
                r = row0 + c * rch + ri
                pltpu.async_copy(
                    x_hbm.at[r >> 3, :, r & 7],
                    xb.at[pl.ds(ri * n_tiles, n_tiles)],
                    sem,
                )

        def wait_in(c, xb, sem):
            for ri in range(rch):
                pltpu.make_async_copy(
                    x_hbm.at[0, :, 0],
                    xb.at[pl.ds(ri * n_tiles, n_tiles)],
                    sem,
                ).wait()

        oh = ow // 2

        def start_out(c, ob, sem):
            pltpu.async_copy(
                ob.at[pl.ds(0, oh)],
                out_hbm.at[pl.ds(out_base + c * ow, oh)], sem)
            pltpu.async_copy(
                ob.at[pl.ds(oh, oh)],
                out_hbm.at[pl.ds(out_base + c * ow + oh, oh)], sem)

        def wait_out(c, ob, sem):
            for _ in range(2):
                pltpu.make_async_copy(
                    ob.at[pl.ds(0, oh)],
                    out_hbm.at[pl.ds(out_base, oh)], sem).wait()

        start_in(0, xb0, si0)
        start_in(1, xb1, si1)

        for ob in obufs:
            @plsc.parallel_loop(0, ow // LANES, unroll=8)
            def _(z):
                ob[pl.ds(z * LANES, LANES)] = zeros
        for ix in ixbufs:
            @plsc.parallel_loop(0, cw // LANES, unroll=8)
            def _(z):
                ix[pl.ds(z * LANES, LANES)] = lane

        def compute(xb, ob, ix):
            @plsc.parallel_loop(0, cw // LANES, unroll=8)
            def _(v):
                old = ix[pl.ds(v * LANES, LANES)]
                plsc.store_scatter(ob, [old], zeros)

            @plsc.parallel_loop(0, cw // LANES, unroll=8)
            def _(v):
                xv = xb[v >> 3, pl.ds((v & 7) << 4, LANES)]
                xn = xv + off
                r0 = lax.rem(xn, _TWO_PI)
                rr = jnp.where(r0 < 0.0, r0 + _TWO_PI, r0)
                bv = jnp.minimum((rr * _INV_BIN).astype(jnp.int32), N_BINS - 1)
                valid = rr < _TWO_PI
                ob_base = ((v >> 3) << 10) + ((v & 7) << 4)
                idx = (bv << 7) + (lane + ob_base)
                plsc.store_scatter(ob, [idx], ones, mask=valid)
                ix[pl.ds(v * LANES, LANES)] = idx

        def gbody(g, _):
            for b in range(2):
                c = 2 * g + b
                wait_in(c, xbufs[b], isems[b])

                @pl.when(g > 0)
                def _():
                    wait_out(c, obufs[b], osems[b])

                compute(xbufs[b], obufs[b], ixbufs[b])
                start_out(c, obufs[b], osems[b])

                @pl.when(c + 2 < nch)
                def _():
                    start_in(c + 2, xbufs[b], isems[b])
            return 0

        lax.fori_loop(0, nch // 2, gbody, 0)
        wait_out(0, ob0, so0)
        wait_out(0, ob1, so1)

    return encode_kernel


def kernel(x, phase_bins):
    del phase_bins
    n_rows, n_cols = x.shape
    xnat = (
        x.reshape(n_rows // 8, 8, n_cols // 128, 128).transpose(0, 2, 1, 3)
    )
    outf = _make_encode_kernel(n_rows, n_cols)(xnat)
    out4 = outf.reshape(n_rows, n_cols // 128, N_BINS, 128)
    return out4.transpose(0, 1, 3, 2).reshape(n_rows, n_cols, N_BINS)

# --- scband reference (transcript-rebuilt; emitter-appended) ---
"""Pipeline reference for scband-phase-encoding-57672820850799 (READ-ONLY COPY).

The authoritative reference and input builder live on the scoring server;
editing this copy changes nothing except your own understanding.
"""

import jax, jax.numpy as jnp
import numpy as np

N_PHASES = 8
THRESHOLD = 1.0  # unused in forward, kept for fidelity with module config


def setup_inputs(seed: int = 0) -> dict:
    key = jax.random.key(seed)
    x = jax.random.normal(key, (4096, 2048), dtype=jnp.float32)
    # buffer from __init__: torch.linspace(0, 2*pi, n_phases + 1)
    phase_bins = jnp.linspace(0.0, 2.0 * jnp.pi, N_PHASES + 1).astype(jnp.float32)
    return {"x": x, "phase_bins": phase_bins}


def reference(x, phase_bins):
    two_pi = 2.0 * jnp.pi
    # torch: (x + 1) % 2pi if x.min() < 0 else x % 2pi
    x_normalized = jnp.where(x.min() < 0, (x + 1.0) % two_pi, x % two_pi)
    # spikes starts at zeros; spikes[mask, i] = 1.0  ==  mask per bin
    cols = []
    for i in range(N_PHASES):
        mask = (x_normalized >= phase_bins[i]) & (x_normalized < phase_bins[i + 1])
        cols.append(mask.astype(x.dtype))
    spikes = jnp.stack(cols, axis=-1)
    return spikes

if __name__ == "__main__":
    import jax
    _d = setup_inputs()
    print(jax.jit(kernel)(*tuple(_d.values())))

</pallas_src>

<mosaic_0001>
#map = affine_map<(d0, d1) -> (0, 0, 0, 0)>
#map1 = affine_map<(d0, d1) -> (0)>
module attributes {stable_mosaic.version = 14 : i64} {
  func.func @encode_kernel(%arg0: i32, %arg1: i32, %arg2: memref<512x16x8x128xf32, #tpu.memory_space<hbm>>, %arg3: memref<67108864xf32, #tpu.memory_space<hbm>>, %arg4: memref<32x128xf32, #tpu.memory_space<vmem>>, %arg5: memref<32x128xf32, #tpu.memory_space<vmem>>, %arg6: memref<32768xf32, #tpu.memory_space<vmem>>, %arg7: memref<32768xf32, #tpu.memory_space<vmem>>, %arg8: memref<16x8x128xf32, #tpu.memory_space<vmem>>, %arg9: memref<16xf32, #tpu.memory_space<vmem>>, %arg10: memref<4096xi32, #tpu.memory_space<vmem>>, %arg11: memref<4096xi32, #tpu.memory_space<vmem>>, %arg12: memref<!tpu.dma_semaphore, #tpu.memory_space<semaphore_mem>>, %arg13: memref<!tpu.dma_semaphore, #tpu.memory_space<semaphore_mem>>, %arg14: memref<!tpu.dma_semaphore, #tpu.memory_space<semaphore_mem>>, %arg15: memref<!tpu.dma_semaphore, #tpu.memory_space<semaphore_mem>>) attributes {dimension_semantics = [#tpu.dimension_semantics<core_parallel>, #tpu.dimension_semantics<subcore_parallel>], iteration_bounds = array<i64: 2, 16>, scalar_prefetch = 0 : i64, scratch_operands = 12 : i64, tpu.core_type = #tpu.core_type<sc_vector_subcore>, window_params = [{transform_indices = #map}, {transform_indices = #map1}]} {
    %mul3A = arith.constant 2 : i32
    %mul3A_0 = arith.muli %arg1, %mul3A : i32
    %add3A = arith.addi %mul3A_0, %arg0 : i32
    %mul3A_1 = arith.constant 128 : i32
    %mul3A_2 = arith.muli %add3A, %mul3A_1 : i32
    %mul3A_3 = arith.constant 2048 : i32
    %mul3A_4 = arith.muli %mul3A_2, %mul3A_3 : i32
    %mul3A_5 = arith.constant 8 : i32
    %mul3A_6 = arith.muli %mul3A_4, %mul3A_5 : i32
    %iota3A = tpu.iota {dimensions = array<i32: 0>} : vector<16xi32>
    %broadcast_in_dim3A = arith.constant 1.000000e+00 : f32
    %broadcast_in_dim3A_7 = vector.broadcast %broadcast_in_dim3A : f32 to vector<16xf32>
    %broadcast_in_dim3A_8 = arith.constant 0.000000e+00 : f32
    %broadcast_in_dim3A_9 = vector.broadcast %broadcast_in_dim3A_8 : f32 to vector<16xf32>
    %while3A = arith.constant 0 : i32
    %while3A_10 = arith.constant false
    %while3A_11:2 = scf.while (%while3A_137 = %while3A, %while3A_138 = %while3A_10) : (i32, i1) -> (i32, i1) {
      %lt3A = arith.constant 512 : i32
      %lt3A_139 = arith.cmpi slt, %while3A_137, %lt3A : i32
      %not3A = arith.constant true
      %not3A_140 = arith.xori %while3A_138, %not3A : i1
      %and3A_141 = arith.andi %lt3A_139, %not3A_140 : i1
      scf.condition(%and3A_141) %while3A_137, %while3A_138 : i32, i1
    } do {
    ^bb0(%while3A_137: i32, %while3A_138: i1):
      "tpu.region"() ({
        %run_scoped3A = tpu.sem_alloc : memref<!tpu.dma_semaphore, #tpu.memory_space<semaphore_mem>>
        %dma_start3A_174 = arith.constant 0 : i32
        %dma_start3A_175 = arith.constant 0 : i32
        %dma_start3A_176 = arith.constant 0 : i32
        %dma_start3A_177 = tpu.memref_slice %arg2[%while3A_137, %dma_start3A_174, %dma_start3A_175, %dma_start3A_176] : memref<512x16x8x128xf32, #tpu.memory_space<hbm>> -> memref<1x16x8x128xf32, #tpu.memory_space<hbm>>
        %dma_start3A_178 = tpu.memref_squeeze %dma_start3A_177 : memref<1x16x8x128xf32, #tpu.memory_space<hbm>> -> memref<16x8x128xf32, #tpu.memory_space<hbm>>
        %dma_start3A_179 = arith.constant 0 : i32
        %dma_start3A_180 = arith.constant 0 : i32
        %dma_start3A_181 = arith.constant 0 : i32
        %dma_start3A_182 = tpu.memref_slice %arg2[%while3A_137, %dma_start3A_179, %dma_start3A_180, %dma_start3A_181] : memref<512x16x8x128xf32, #tpu.memory_space<hbm>> -> memref<1x16x8x128xf32, #tpu.memory_space<hbm>>
        %dma_start3A_183 = tpu.memref_squeeze %dma_start3A_182 : memref<1x16x8x128xf32, #tpu.memory_space<hbm>> -> memref<16x8x128xf32, #tpu.memory_space<hbm>>
        tpu.enqueue_dma source(%dma_start3A_183 : memref<16x8x128xf32, #tpu.memory_space<hbm>>) target(%arg8 : memref<16x8x128xf32, #tpu.memory_space<vmem>>) target_semaphore(%run_scoped3A : memref<!tpu.dma_semaphore, #tpu.memory_space<semaphore_mem>>)
        %dma_wait3A_184 = arith.constant 0 : i32
        %dma_wait3A_185 = arith.constant 0 : i32
        %dma_wait3A_186 = arith.constant 0 : i32
        %dma_wait3A_187 = tpu.memref_slice %arg2[%while3A_137, %dma_wait3A_184, %dma_wait3A_185, %dma_wait3A_186] : memref<512x16x8x128xf32, #tpu.memory_space<hbm>> -> memref<1x16x8x128xf32, #tpu.memory_space<hbm>>
        %dma_wait3A_188 = tpu.memref_squeeze %dma_wait3A_187 : memref<1x16x8x128xf32, #tpu.memory_space<hbm>> -> memref<16x8x128xf32, #tpu.memory_space<hbm>>
        %dma_wait3A_189 = arith.constant 0 : i32
        %dma_wait3A_190 = arith.constant 0 : i32
        %dma_wait3A_191 = arith.constant 0 : i32
        %dma_wait3A_192 = tpu.memref_slice %arg2[%while3A_137, %dma_wait3A_189, %dma_wait3A_190, %dma_wait3A_191] : memref<512x16x8x128xf32, #tpu.memory_space<hbm>> -> memref<1x16x8x128xf32, #tpu.memory_space<hbm>>
        %dma_wait3A_193 = tpu.memref_squeeze %dma_wait3A_192 : memref<1x16x8x128xf32, #tpu.memory_space<hbm>> -> memref<16x8x128xf32, #tpu.memory_space<hbm>>
        tpu.wait_dma2 semaphore(%run_scoped3A : memref<!tpu.dma_semaphore, #tpu.memory_space<semaphore_mem>>) src(%dma_wait3A_193 : memref<16x8x128xf32, #tpu.memory_space<hbm>>) dst(%arg8 : memref<16x8x128xf32, #tpu.memory_space<vmem>>)
        tpu.yield
      }) : () -> ()
      %broadcast_in_dim3A_139 = arith.constant 0x7F800000 : f32
      %broadcast_in_dim3A_140 = vector.broadcast %broadcast_in_dim3A_139 : f32 to vector<16xf32>
      %scan3A_141 = arith.constant 0 : i32
      %scan3A_142 = arith.constant 1024 : i32
      %scan3A_143 = arith.addi %scan3A_141, %scan3A_142 : i32
      %scan3A_144 = arith.constant 8 : i32
      %scan3A_145 = scf.for %scan3A_174 = %scan3A_141 to %scan3A_143 step %scan3A_144 iter_args(%scan3A_175 = %broadcast_in_dim3A_140) -> (vector<16xf32>)  : i32 {
        %shift_right_arithmetic3A_176 = arith.constant 6 : i32
        %shift_right_arithmetic3A_177 = arith.shrsi %scan3A_174, %shift_right_arithmetic3A_176 : i32
        %shift_right_arithmetic3A_178 = arith.constant 3 : i32
        %shift_right_arithmetic3A_179 = arith.shrsi %scan3A_174, %shift_right_arithmetic3A_178 : i32
        %and3A_180 = arith.constant 7 : i32
        %and3A_181 = arith.andi %shift_right_arithmetic3A_179, %and3A_180 : i32
        %and3A_182 = arith.constant 7 : i32
        %and3A_183 = arith.andi %scan3A_174, %and3A_182 : i32
        %shift_left3A = arith.constant 4 : i32
        %shift_left3A_184 = arith.shli %and3A_183, %shift_left3A : i32
        %get3A = arith.index_cast %shift_right_arithmetic3A_177 : i32 to index
        %get3A_185 = arith.index_cast %and3A_181 : i32 to index
        %get3A_186 = arith.index_cast %shift_left3A_184 : i32 to index
        %get3A_187 = tpu.vector_load %arg8[%get3A, %get3A_185, %get3A_186] {strides = array<i32>} : memref<16x8x128xf32, #tpu.memory_space<vmem>>, vector<16xf32>,
        %min3A_188 = arith.minimumf %scan3A_175, %get3A_187 : vector<16xf32>
        %scan3A_189 = arith.constant 1 : i32
        %scan3A_190 = arith.addi %scan3A_174, %scan3A_189 : i32
        %shift_right_arithmetic3A_191 = arith.constant 6 : i32
        %shift_right_arithmetic3A_192 = arith.shrsi %scan3A_190, %shift_right_arithmetic3A_191 : i32
        %shift_right_arithmetic3A_193 = arith.constant 3 : i32
        %shift_right_arithmetic3A_194 = arith.shrsi %scan3A_190, %shift_right_arithmetic3A_193 : i32
        %and3A_195 = arith.constant 7 : i32
        %and3A_196 = arith.andi %shift_right_arithmetic3A_194, %and3A_195 : i32
        %and3A_197 = arith.constant 7 : i32
        %and3A_198 = arith.andi %scan3A_190, %and3A_197 : i32
        %shift_left3A_199 = arith.constant 4 : i32
        %shift_left3A_200 = arith.shli %and3A_198, %shift_left3A_199 : i32
        %get3A_201 = arith.index_cast %shift_right_arithmetic3A_192 : i32 to index
        %get3A_202 = arith.index_cast %and3A_196 : i32 to index
        %get3A_203 = arith.index_cast %shift_left3A_200 : i32 to index
        %get3A_204 = tpu.vector_load %arg8[%get3A_201, %get3A_202, %get3A_203] {strides = array<i32>} : memref<16x8x128xf32, #tpu.memory_space<vmem>>, vector<16xf32>,
        %min3A_205 = arith.minimumf %min3A_188, %get3A_204 : vector<16xf32>
        %scan3A_206 = arith.constant 2 : i32
        %scan3A_207 = arith.addi %scan3A_174, %scan3A_206 : i32
        %shift_right_arithmetic3A_208 = arith.constant 6 : i32
        %shift_right_arithmetic3A_209 = arith.shrsi %scan3A_207, %shift_right_arithmetic3A_208 : i32
        %shift_right_arithmetic3A_210 = arith.constant 3 : i32
        %shift_right_arithmetic3A_211 = arith.shrsi %scan3A_207, %shift_right_arithmetic3A_210 : i32
        %and3A_212 = arith.constant 7 : i32
        %and3A_213 = arith.andi %shift_right_arithmetic3A_211, %and3A_212 : i32
        %and3A_214 = arith.constant 7 : i32
        %and3A_215 = arith.andi %scan3A_207, %and3A_214 : i32
        %shift_left3A_216 = arith.constant 4 : i32
        %shift_left3A_217 = arith.shli %and3A_215, %shift_left3A_216 : i32
        %get3A_218 = arith.index_cast %shift_right_arithmetic3A_209 : i32 to index
        %get3A_219 = arith.index_cast %and3A_213 : i32 to index
        %get3A_220 = arith.index_cast %shift_left3A_217 : i32 to index
        %get3A_221 = tpu.vector_load %arg8[%get3A_218, %get3A_219, %get3A_220] {strides = array<i32>} : memref<16x8x128xf32, #tpu.memory_space<vmem>>, vector<16xf32>,
        %min3A_222 = arith.minimumf %min3A_205, %get3A_221 : vector<16xf32>
        %scan3A_223 = arith.constant 3 : i32
        %scan3A_224 = arith.addi %scan3A_174, %scan3A_223 : i32
        %shift_right_arithmetic3A_225 = arith.constant 6 : i32
        %shift_right_arithmetic3A_226 = arith.shrsi %scan3A_224, %shift_right_arithmetic3A_225 : i32
        %shift_right_arithmetic3A_227 = arith.constant 3 : i32
        %shift_right_arithmetic3A_228 = arith.shrsi %scan3A_224, %shift_right_arithmetic3A_227 : i32
        %and3A_229 = arith.constant 7 : i32
        %and3A_230 = arith.andi %shift_right_arithmetic3A_228, %and3A_229 : i32
        %and3A_231 = arith.constant 7 : i32
        %and3A_232 = arith.andi %scan3A_224, %and3A_231 : i32
        %shift_left3A_233 = arith.constant 4 : i32
        %shift_left3A_234 = arith.shli %and3A_232, %shift_left3A_233 : i32
        %get3A_235 = arith.index_cast %shift_right_arithmetic3A_226 : i32 to index
        %get3A_236 = arith.index_cast %and3A_230 : i32 to index
        %get3A_237 = arith.index_cast %shift_left3A_234 : i32 to index
        %get3A_238 = tpu.vector_load %arg8[%get3A_235, %get3A_236, %get3A_237] {strides = array<i32>} : memref<16x8x128xf32, #tpu.memory_space<vmem>>, vector<16xf32>,
        %min3A_239 = arith.minimumf %min3A_222, %get3A_238 : vector<16xf32>
        %scan3A_240 = arith.constant 4 : i32
        %scan3A_241 = arith.addi %scan3A_174, %scan3A_240 : i32
        %shift_right_arithmetic3A_242 = arith.constant 6 : i32
        %shift_right_arithmetic3A_243 = arith.shrsi %scan3A_241, %shift_right_arithmetic3A_242 : i32
        %shift_right_arithmetic3A_244 = arith.constant 3 : i32
        %shift_right_arithmetic3A_245 = arith.shrsi %scan3A_241, %shift_right_arithmetic3A_244 : i32
        %and3A_246 = arith.constant 7 : i32
        %and3A_247 = arith.andi %shift_right_arithmetic3A_245, %and3A_246 : i32
        %and3A_248 = arith.constant 7 : i32
        %and3A_249 = arith.andi %scan3A_241, %and3A_248 : i32
        %shift_left3A_250 = arith.constant 4 : i32
        %shift_left3A_251 = arith.shli %and3A_249, %shift_left3A_250 : i32
        %get3A_252 = arith.index_cast %shift_right_arithmetic3A_243 : i32 to index
        %get3A_253 = arith.index_cast %and3A_247 : i32 to index
        %get3A_254 = arith.index_cast %shift_left3A_251 : i32 to index
        %get3A_255 = tpu.vector_load %arg8[%get3A_252, %get3A_253, %get3A_254] {strides = array<i32>} : memref<16x8x128xf32, #tpu.memory_space<vmem>>, vector<16xf32>,
        %min3A_256 = arith.minimumf %min3A_239, %get3A_255 : vector<16xf32>
        %scan3A_257 = arith.constant 5 : i32
        %scan3A_258 = arith.addi %scan3A_174, %scan3A_257 : i32
        %shift_right_arithmetic3A_259 = arith.constant 6 : i32
        %shift_right_arithmetic3A_260 = arith.shrsi %scan3A_258, %shift_right_arithmetic3A_259 : i32
        %shift_right_arithmetic3A_261 = arith.constant 3 : i32
        %shift_right_arithmetic3A_262 = arith.shrsi %scan3A_258, %shift_right_arithmetic3A_261 : i32
        %and3A_263 = arith.constant 7 : i32
        %and3A_264 = arith.andi %shift_right_arithmetic3A_262, %and3A_263 : i32
        %and3A_265 = arith.constant 7 : i32
        %and3A_266 = arith.andi %scan3A_258, %and3A_265 : i32
        %shift_left3A_267 = arith.constant 4 : i32
        %shift_left3A_268 = arith.shli %and3A_266, %shift_left3A_267 : i32
        %get3A_269 = arith.index_cast %shift_right_arithmetic3A_260 : i32 to index
        %get3A_270 = arith.index_cast %and3A_264 : i32 to index
        %get3A_271 = arith.index_cast %shift_left3A_268 : i32 to index
        %get3A_272 = tpu.vector_load %arg8[%get3A_269, %get3A_270, %get3A_271] {strides = array<i32>} : memref<16x8x128xf32, #tpu.memory_space<vmem>>, vector<16xf32>,
        %min3A_273 = arith.minimumf %min3A_256, %get3A_272 : vector<16xf32>
        %scan3A_274 = arith.constant 6 : i32
        %scan3A_275 = arith.addi %scan3A_174, %scan3A_274 : i32
        %shift_right_arithmetic3A_276 = arith.constant 6 : i32
        %shift_right_arithmetic3A_277 = arith.shrsi %scan3A_275, %shift_right_arithmetic3A_276 : i32
        %shift_right_arithmetic3A_278 = arith.constant 3 : i32
        %shift_right_arithmetic3A_279 = arith.shrsi %scan3A_275, %shift_right_arithmetic3A_278 : i32
        %and3A_280 = arith.constant 7 : i32
        %and3A_281 = arith.andi %shift_right_arithmetic3A_279, %and3A_280 : i32
        %and3A_282 = arith.constant 7 : i32
        %and3A_283 = arith.andi %scan3A_275, %and3A_282 : i32
        %shift_left3A_284 = arith.constant 4 : i32
        %shift_left3A_285 = arith.shli %and3A_283, %shift_left3A_284 : i32
        %get3A_286 = arith.index_cast %shift_right_arithmetic3A_277 : i32 to index
        %get3A_287 = arith.index_cast %and3A_281 : i32 to index
        %get3A_288 = arith.index_cast %shift_left3A_285 : i32 to index
        %get3A_289 = tpu.vector_load %arg8[%get3A_286, %get3A_287, %get3A_288] {strides = array<i32>} : memref<16x8x128xf32, #tpu.memory_space<vmem>>, vector<16xf32>,
        %min3A_290 = arith.minimumf %min3A_273, %get3A_289 : vector<16xf32>
        %scan3A_291 = arith.constant 7 : i32
        %scan3A_292 = arith.addi %scan3A_174, %scan3A_291 : i32
        %shift_right_arithmetic3A_293 = arith.constant 6 : i32
        %shift_right_arithmetic3A_294 = arith.shrsi %scan3A_292, %shift_right_arithmetic3A_293 : i32
        %shift_right_arithmetic3A_295 = arith.constant 3 : i32
        %shift_right_arithmetic3A_296 = arith.shrsi %scan3A_292, %shift_right_arithmetic3A_295 : i32
        %and3A_297 = arith.constant 7 : i32
        %and3A_298 = arith.andi %shift_right_arithmetic3A_296, %and3A_297 : i32
        %and3A_299 = arith.constant 7 : i32
        %and3A_300 = arith.andi %scan3A_292, %and3A_299 : i32
        %shift_left3A_301 = arith.constant 4 : i32
        %shift_left3A_302 = arith.shli %and3A_300, %shift_left3A_301 : i32
        %get3A_303 = arith.index_cast %shift_right_arithmetic3A_294 : i32 to index
        %get3A_304 = arith.index_cast %and3A_298 : i32 to index
        %get3A_305 = arith.index_cast %shift_left3A_302 : i32 to index
        %get3A_306 = tpu.vector_load %arg8[%get3A_303, %get3A_304, %get3A_305] {strides = array<i32>} : memref<16x8x128xf32, #tpu.memory_space<vmem>>, vector<16xf32>,
        %min3A_307 = arith.minimumf %min3A_290, %get3A_306 : vector<16xf32>
        scf.yield %min3A_307 : vector<16xf32>
      }
      %scan3A_146 = arith.constant 1024 : i32
      %swap3A = arith.constant 0 : index
      %swap3A_147 = tpu.vector_load %arg9[%swap3A] {strides = array<i32>} : memref<16xf32, #tpu.memory_space<vmem>>, vector<16xf32>,
      tpu.vector_store %arg9[%swap3A], %scan3A_145 {strides = array<i32>} : memref<16xf32, #tpu.memory_space<vmem>>, vector<16xf32>,
      %xor3A = arith.constant 8 : i32
      %xor3A_148 = vector.broadcast %xor3A : i32 to vector<16xi32>
      %xor3A_149 = arith.xori %iota3A, %xor3A_148 : vector<16xi32>
      %gather3A = tpu.vector_load_idx %arg9[%xor3A_149] : memref<16xf32, #tpu.memory_space<vmem>>[vector<16xi32>], vector<16xf32>,
      %min3A = arith.minimumf %scan3A_145, %gather3A : vector<16xf32>
      %swap3A_150 = arith.constant 0 : index
      %swap3A_151 = tpu.vector_load %arg9[%swap3A_150] {strides = array<i32>} : memref<16xf32, #tpu.memory_space<vmem>>, vector<16xf32>,
      tpu.vector_store %arg9[%swap3A_150], %min3A {strides = array<i32>} : memref<16xf32, #tpu.memory_space<vmem>>, vector<16xf32>,
      %xor3A_152 = arith.constant 4 : i32
      %xor3A_153 = vector.broadcast %xor3A_152 : i32 to vector<16xi32>
      %xor3A_154 = arith.xori %iota3A, %xor3A_153 : vector<16xi32>
      %gather3A_155 = tpu.vector_load_idx %arg9[%xor3A_154] : memref<16xf32, #tpu.memory_space<vmem>>[vector<16xi32>], vector<16xf32>,
      %min3A_156 = arith.minimumf %min3A, %gather3A_155 : vector<16xf32>
      %swap3A_157 = arith.constant 0 : index
      %swap3A_158 = tpu.vector_load %arg9[%swap3A_157] {strides = array<i32>} : memref<16xf32, #tpu.memory_space<vmem>>, vector<16xf32>,
      tpu.vector_store %arg9[%swap3A_157], %min3A_156 {strides = array<i32>} : memref<16xf32, #tpu.memory_space<vmem>>, vector<16xf32>,
      %xor3A_159 = arith.constant 2 : i32
      %xor3A_160 = vector.broadcast %xor3A_159 : i32 to vector<16xi32>
      %xor3A_161 = arith.xori %iota3A, %xor3A_160 : vector<16xi32>
      %gather3A_162 = tpu.vector_load_idx %arg9[%xor3A_161] : memref<16xf32, #tpu.memory_space<vmem>>[vector<16xi32>], vector<16xf32>,
      %min3A_163 = arith.minimumf %min3A_156, %gather3A_162 : vector<16xf32>
      %swap3A_164 = arith.constant 0 : index
      %swap3A_165 = tpu.vector_load %arg9[%swap3A_164] {strides = array<i32>} : memref<16xf32, #tpu.memory_space<vmem>>, vector<16xf32>,
      tpu.vector_store %arg9[%swap3A_164], %min3A_163 {strides = array<i32>} : memref<16xf32, #tpu.memory_space<vmem>>, vector<16xf32>,
      %xor3A_166 = arith.constant 1 : i32
      %xor3A_167 = vector.broadcast %xor3A_166 : i32 to vector<16xi32>
      %xor3A_168 = arith.xori %iota3A, %xor3A_167 : vector<16xi32>
      %gather3A_169 = tpu.vector_load_idx %arg9[%xor3A_168] : memref<16xf32, #tpu.memory_space<vmem>>[vector<16xi32>], vector<16xf32>,
      %min3A_170 = arith.minimumf %min3A_163, %gather3A_169 : vector<16xf32>
      %add3A_171 = arith.constant 1 : i32
      %add3A_172 = arith.addi %while3A_137, %add3A_171 : i32
      %slice3A = vector.extract_strided_slice %min3A_170 {offsets = [0], sizes = [1], strides = [1]} : vector<16xf32> to vector<1xf32>
      %squeeze3A = vector.extract %slice3A[0] : f32 from vector<1xf32>
      %lt3A = arith.constant 0.000000e+00 : f32
      %lt3A_173 = arith.cmpf olt, %squeeze3A, %lt3A : f32
      scf.yield %add3A_172, %lt3A_173 : i32, i1
    }
    %select_n3A = arith.select %while3A_11#1, %broadcast_in_dim3A_7, %broadcast_in_dim3A_9 : vector<16xf32>
    %add3A_12 = arith.constant 0 : i32
    %add3A_13 = arith.addi %mul3A_2, %add3A_12 : i32
    %add3A_14 = arith.constant 0 : i32
    %add3A_15 = arith.addi %add3A_13, %add3A_14 : i32
    %shift_right_arithmetic3A = arith.constant 3 : i32
    %shift_right_arithmetic3A_16 = arith.shrsi %add3A_15, %shift_right_arithmetic3A : i32
    %and3A = arith.constant 7 : i32
    %and3A_17 = arith.andi %add3A_15, %and3A : i32
    %dma_start3A = arith.constant 0 : i32
    %dma_start3A_18 = arith.constant 0 : i32
    %dma_start3A_19 = tpu.memref_slice %arg4[%dma_start3A, %dma_start3A_18] : memref<32x128xf32, #tpu.memory_space<vmem>> -> memref<16x128xf32, #tpu.memory_space<vmem>>
    %dma_start3A_20 = arith.constant 0 : i32
    %dma_start3A_21 = arith.constant 0 : i32
    %dma_start3A_22 = tpu.memref_slice %arg2[%shift_right_arithmetic3A_16, %dma_start3A_20, %and3A_17, %dma_start3A_21] : memref<512x16x8x128xf32, #tpu.memory_space<hbm>> -> memref<1x16x1x128xf32, #tpu.memory_space<hbm>>
    %dma_start3A_23 = tpu.memref_squeeze %dma_start3A_22 : memref<1x16x1x128xf32, #tpu.memory_space<hbm>> -> memref<16x128xf32, #tpu.memory_space<hbm>>
    %dma_start3A_24 = arith.constant 0 : i32
    %dma_start3A_25 = arith.constant 0 : i32
    %dma_start3A_26 = tpu.memref_slice %arg4[%dma_start3A_24, %dma_start3A_25] : memref<32x128xf32, #tpu.memory_space<vmem>> -> memref<16x128xf32, #tpu.memory_space<vmem>>
    %dma_start3A_27 = arith.constant 0 : i32
    %dma_start3A_28 = arith.constant 0 : i32
    %dma_start3A_29 = tpu.memref_slice %arg2[%shift_right_arithmetic3A_16, %dma_start3A_27, %and3A_17, %dma_start3A_28] : memref<512x16x8x128xf32, #tpu.memory_space<hbm>> -> memref<1x16x1x128xf32, #tpu.memory_space<hbm>>
    %dma_start3A_30 = tpu.memref_squeeze %dma_start3A_29 : memref<1x16x1x128xf32, #tpu.memory_space<hbm>> -> memref<16x128xf32, #tpu.memory_space<hbm>>
    tpu.enqueue_dma source(%dma_start3A_30 : memref<16x128xf32, #tpu.memory_space<hbm>>) target(%dma_start3A_26 : memref<16x128xf32, #tpu.memory_space<vmem>>) target_semaphore(%arg12 : memref<!tpu.dma_semaphore, #tpu.memory_space<semaphore_mem>>)
    %add3A_31 = arith.constant 0 : i32
    %add3A_32 = arith.addi %mul3A_2, %add3A_31 : i32
    %add3A_33 = arith.constant 1 : i32
    %add3A_34 = arith.addi %add3A_32, %add3A_33 : i32
    %shift_right_arithmetic3A_35 = arith.constant 3 : i32
    %shift_right_arithmetic3A_36 = arith.shrsi %add3A_34, %shift_right_arithmetic3A_35 : i32
    %and3A_37 = arith.constant 7 : i32
    %and3A_38 = arith.andi %add3A_34, %and3A_37 : i32
    %dma_start3A_39 = arith.constant 16 : i32
    %dma_start3A_40 = arith.constant 0 : i32
    %dma_start3A_41 = tpu.memref_slice %arg4[%dma_start3A_39, %dma_start3A_40] : memref<32x128xf32, #tpu.memory_space<vmem>> -> memref<16x128xf32, #tpu.memory_space<vmem>>
    %dma_start3A_42 = arith.constant 0 : i32
    %dma_start3A_43 = arith.constant 0 : i32
    %dma_start3A_44 = tpu.memref_slice %arg2[%shift_right_arithmetic3A_36, %dma_start3A_42, %and3A_38, %dma_start3A_43] : memref<512x16x8x128xf32, #tpu.memory_space<hbm>> -> memref<1x16x1x128xf32, #tpu.memory_space<hbm>>
    %dma_start3A_45 = tpu.memref_squeeze %dma_start3A_44 : memref<1x16x1x128xf32, #tpu.memory_space<hbm>> -> memref<16x128xf32, #tpu.memory_space<hbm>>
    %dma_start3A_46 = arith.constant 16 : i32
    %dma_start3A_47 = arith.constant 0 : i32
    %dma_start3A_48 = tpu.memref_slice %arg4[%dma_start3A_46, %dma_start3A_47] : memref<32x128xf32, #tpu.memory_space<vmem>> -> memref<16x128xf32, #tpu.memory_space<vmem>>
    %dma_start3A_49 = arith.constant 0 : i32
    %dma_start3A_50 = arith.constant 0 : i32
    %dma_start3A_51 = tpu.memref_slice %arg2[%shift_right_arithmetic3A_36, %dma_start3A_49, %and3A_38, %dma_start3A_50] : memref<512x16x8x128xf32, #tpu.memory_space<hbm>> -> memref<1x16x1x128xf32, #tpu.memory_space<hbm>>
    %dma_start3A_52 = tpu.memref_squeeze %dma_start3A_51 : memref<1x16x1x128xf32, #tpu.memory_space<hbm>> -> memref<16x128xf32, #tpu.memory_space<hbm>>
    tpu.enqueue_dma source(%dma_start3A_52 : memref<16x128xf32, #tpu.memory_space<hbm>>) target(%dma_start3A_48 : memref<16x128xf32, #tpu.memory_space<vmem>>) target_semaphore(%arg12 : memref<!tpu.dma_semaphore, #tpu.memory_space<semaphore_mem>>)
    %add3A_53 = arith.constant 2 : i32
    %add3A_54 = arith.addi %mul3A_2, %add3A_53 : i32
    %add3A_55 = arith.constant 0 : i32
    %add3A_56 = arith.addi %add3A_54, %add3A_55 : i32
    %shift_right_arithmetic3A_57 = arith.constant 3 : i32
    %shift_right_arithmetic3A_58 = arith.shrsi %add3A_56, %shift_right_arithmetic3A_57 : i32
    %and3A_59 = arith.constant 7 : i32
    %and3A_60 = arith.andi %add3A_56, %and3A_59 : i32
    %dma_start3A_61 = arith.constant 0 : i32
    %dma_start3A_62 = arith.constant 0 : i32
    %dma_start3A_63 = tpu.memref_slice %arg5[%dma_start3A_61, %dma_start3A_62] : memref<32x128xf32, #tpu.memory_space<vmem>> -> memref<16x128xf32, #tpu.memory_space<vmem>>
    %dma_start3A_64 = arith.constant 0 : i32
    %dma_start3A_65 = arith.constant 0 : i32
    %dma_start3A_66 = tpu.memref_slice %arg2[%shift_right_arithmetic3A_58, %dma_start3A_64, %and3A_60, %dma_start3A_65] : memref<512x16x8x128xf32, #tpu.memory_space<hbm>> -> memref<1x16x1x128xf32, #tpu.memory_space<hbm>>
    %dma_start3A_67 = tpu.memref_squeeze %dma_start3A_66 : memref<1x16x1x128xf32, #tpu.memory_space<hbm>> -> memref<16x128xf32, #tpu.memory_space<hbm>>
    %dma_start3A_68 = arith.constant 0 : i32
    %dma_start3A_69 = arith.constant 0 : i32
    %dma_start3A_70 = tpu.memref_slice %arg5[%dma_start3A_68, %dma_start3A_69] : memref<32x128xf32, #tpu.memory_space<vmem>> -> memref<16x128xf32, #tpu.memory_space<vmem>>
    %dma_start3A_71 = arith.constant 0 : i32
    %dma_start3A_72 = arith.constant 0 : i32
    %dma_start3A_73 = tpu.memref_slice %arg2[%shift_right_arithmetic3A_58, %dma_start3A_71, %and3A_60, %dma_start3A_72] : memref<512x16x8x128xf32, #tpu.memory_space<hbm>> -> memref<1x16x1x128xf32, #tpu.memory_space<hbm>>
    %dma_start3A_74 = tpu.memref_squeeze %dma_start3A_73 : memref<1x16x1x128xf32, #tpu.memory_space<hbm>> -> memref<16x128xf32, #tpu.memory_space<hbm>>
    tpu.enqueue_dma source(%dma_start3A_74 : memref<16x128xf32, #tpu.memory_space<hbm>>) target(%dma_start3A_70 : memref<16x128xf32, #tpu.memory_space<vmem>>) target_semaphore(%arg13 : memref<!tpu.dma_semaphore, #tpu.memory_space<semaphore_mem>>)
    %add3A_75 = arith.constant 2 : i32
    %add3A_76 = arith.addi %mul3A_2, %add3A_75 : i32
    %add3A_77 = arith.constant 1 : i32
    %add3A_78 = arith.addi %add3A_76, %add3A_77 : i32
    %shift_right_arithmetic3A_79 = arith.constant 3 : i32
    %shift_right_arithmetic3A_80 = arith.shrsi %add3A_78, %shift_right_arithmetic3A_79 : i32
    %and3A_81 = arith.constant 7 : i32
    %and3A_82 = arith.andi %add3A_78, %and3A_81 : i32
    %dma_start3A_83 = arith.constant 16 : i32
    %dma_start3A_84 = arith.constant 0 : i32
    %dma_start3A_85 = tpu.memref_slice %arg5[%dma_start3A_83, %dma_start3A_84] : memref<32x128xf32, #tpu.memory_space<vmem>> -> memref<16x128xf32, #tpu.memory_space<vmem>>
    %dma_start3A_86 = arith.constant 0 : i32
    %dma_start3A_87 = arith.constant 0 : i32
    %dma_start3A_88 = tpu.memref_slice %arg2[%shift_right_arithmetic3A_80, %dma_start3A_86, %and3A_82, %dma_start3A_87] : memref<512x16x8x128xf32, #tpu.memory_space<hbm>> -> memref<1x16x1x128xf32, #tpu.memory_space<hbm>>
    %dma_start3A_89 = tpu.memref_squeeze %dma_start3A_88 : memref<1x16x1x128xf32, #tpu.memory_space<hbm>> -> memref<16x128xf32, #tpu.memory_space<hbm>>
    %dma_start3A_90 = arith.constant 16 : i32
    %dma_start3A_91 = arith.constant 0 : i32
    %dma_start3A_92 = tpu.memref_slice %arg5[%dma_start3A_90, %dma_start3A_91] : memref<32x128xf32, #tpu.memory_space<vmem>> -> memref<16x128xf32, #tpu.memory_space<vmem>>
    %dma_start3A_93 = arith.constant 0 : i32
    %dma_start3A_94 = arith.constant 0 : i32
    %dma_start3A_95 = tpu.memref_slice %arg2[%shift_right_arithmetic3A_80, %dma_start3A_93, %and3A_82, %dma_start3A_94] : memref<512x16x8x128xf32, #tpu.memory_space<hbm>> -> memref<1x16x1x128xf32, #tpu.memory_space<hbm>>
    %dma_start3A_96 = tpu.memref_squeeze %dma_start3A_95 : memref<1x16x1x128xf32, #tpu.memory_space<hbm>> -> memref<16x128xf32, #tpu.memory_space<hbm>>
    tpu.enqueue_dma source(%dma_start3A_96 : memref<16x128xf32, #tpu.memory_space<hbm>>) target(%dma_start3A_92 : memref<16x128xf32, #tpu.memory_space<vmem>>) target_semaphore(%arg13 : memref<!tpu.dma_semaphore, #tpu.memory_space<semaphore_mem>>)
    %parallel_loop3A = arith.constant 0 : i32
    %parallel_loop3A_97 = arith.constant 2048 : i32
    %parallel_loop3A_98 = arith.constant 1 : i32
    scf.for %parallel_loop3A_137 = %parallel_loop3A to %parallel_loop3A_97 step %parallel_loop3A_98  : i32 {
      %parallel_loop3A_138 = arith.constant 16 : i32
      %parallel_loop3A_139 = arith.muli %parallel_loop3A_137, %parallel_loop3A_138 : i32
      %parallel_loop3A_140 = arith.index_cast %parallel_loop3A_139 : i32 to index
      %parallel_loop3A_141 = tpu.vector_load %arg6[%parallel_loop3A_140] {strides = array<i32>} : memref<32768xf32, #tpu.memory_space<vmem>>, vector<16xf32>,
      tpu.vector_store %arg6[%parallel_loop3A_140], %broadcast_in_dim3A_9 {strides = array<i32>} : memref<32768xf32, #tpu.memory_space<vmem>>, vector<16xf32>,
    } {sc.loop_unroll_factor = 8 : i64, sc.parallel_access}
    %parallel_loop3A_99 = arith.constant 0 : i32
    %parallel_loop3A_100 = arith.constant 2048 : i32
    %parallel_loop3A_101 = arith.constant 1 : i32
    scf.for %parallel_loop3A_137 = %parallel_loop3A_99 to %parallel_loop3A_100 step %parallel_loop3A_101  : i32 {
      %parallel_loop3A_138 = arith.constant 16 : i32
      %parallel_loop3A_139 = arith.muli %parallel_loop3A_137, %parallel_loop3A_138 : i32
      %parallel_loop3A_140 = arith.index_cast %parallel_loop3A_139 : i32 to index
      %parallel_loop3A_141 = tpu.vector_load %arg7[%parallel_loop3A_140] {strides = array<i32>} : memref<32768xf32, #tpu.memory_space<vmem>>, vector<16xf32>,
      tpu.vector_store %arg7[%parallel_loop3A_140], %broadcast_in_dim3A_9 {strides = array<i32>} : memref<32768xf32, #tpu.memory_space<vmem>>, vector<16xf32>,
    } {sc.loop_unroll_factor = 8 : i64, sc.parallel_access}
    %parallel_loop3A_102 = arith.constant 0 : i32
    %parallel_loop3A_103 = arith.constant 256 : i32
    %parallel_loop3A_104 = arith.constant 1 : i32
    scf.for %parallel_loop3A_137 = %parallel_loop3A_102 to %parallel_loop3A_103 step %parallel_loop3A_104  : i32 {
      %parallel_loop3A_138 = arith.constant 16 : i32
      %parallel_loop3A_139 = arith.muli %parallel_loop3A_137, %parallel_loop3A_138 : i32
      %parallel_loop3A_140 = arith.index_cast %parallel_loop3A_139 : i32 to index
      %parallel_loop3A_141 = tpu.vector_load %arg10[%parallel_loop3A_140] {strides = array<i32>} : memref<4096xi32, #tpu.memory_space<vmem>>, vector<16xi32>,
      tpu.vector_store %arg10[%parallel_loop3A_140], %iota3A {strides = array<i32>} : memref<4096xi32, #tpu.memory_space<vmem>>, vector<16xi32>,
    } {sc.loop_unroll_factor = 8 : i64, sc.parallel_access}
    %parallel_loop3A_105 = arith.constant 0 : i32
    %parallel_loop3A_106 = arith.constant 256 : i32
    %parallel_loop3A_107 = arith.constant 1 : i32
    scf.for %parallel_loop3A_137 = %parallel_loop3A_105 to %parallel_loop3A_106 step %parallel_loop3A_107  : i32 {
      %parallel_loop3A_138 = arith.constant 16 : i32
      %parallel_loop3A_139 = arith.muli %parallel_loop3A_137, %parallel_loop3A_138 : i32
      %parallel_loop3A_140 = arith.index_cast %parallel_loop3A_139 : i32 to index
      %parallel_loop3A_141 = tpu.vector_load %arg11[%parallel_loop3A_140] {strides = array<i32>} : memref<4096xi32, #tpu.memory_space<vmem>>, vector<16xi32>,
      tpu.vector_store %arg11[%parallel_loop3A_140], %iota3A {strides = array<i32>} : memref<4096xi32, #tpu.memory_space<vmem>>, vector<16xi32>,
    } {sc.loop_unroll_factor = 8 : i64, sc.parallel_access}
    %scan3A = arith.constant 0 : i32
    %scan3A_108 = arith.constant 0 : i32
    %scan3A_109 = arith.constant 32 : i32
    %scan3A_110 = arith.addi %scan3A_108, %scan3A_109 : i32
    %scan3A_111 = arith.constant 1 : i32
    %scan3A_112 = scf.for %scan3A_137 = %scan3A_108 to %scan3A_110 step %scan3A_111 iter_args(%scan3A_138 = %scan3A) -> (i32)  : i32 {
      %mul3A_139 = arith.constant 2 : i32
      %mul3A_140 = arith.muli %mul3A_139, %scan3A_137 : i32
      %add3A_141 = arith.constant 0 : i32
      %add3A_142 = arith.addi %mul3A_140, %add3A_141 : i32
      %dma_wait3A_143 = arith.constant 0 : i32
      %dma_wait3A_144 = arith.constant 0 : i32
      %dma_wait3A_145 = arith.constant 0 : i32
      %dma_wait3A_146 = arith.constant 0 : i32
      %dma_wait3A_147 = tpu.memref_slice %arg4[%dma_wait3A_145, %dma_wait3A_146] : memref<32x128xf32, #tpu.memory_space<vmem>> -> memref<16x128xf32, #tpu.memory_space<vmem>>
      %dma_wait3A_148 = arith.constant 0 : i32
      %dma_wait3A_149 = arith.constant 0 : i32
      %dma_wait3A_150 = tpu.memref_slice %arg2[%dma_wait3A_143, %dma_wait3A_148, %dma_wait3A_144, %dma_wait3A_149] : memref<512x16x8x128xf32, #tpu.memory_space<hbm>> -> memref<1x16x1x128xf32, #tpu.memory_space<hbm>>
      %dma_wait3A_151 = tpu.memref_squeeze %dma_wait3A_150 : memref<1x16x1x128xf32, #tpu.memory_space<hbm>> -> memref<16x128xf32, #tpu.memory_space<hbm>>
      %dma_wait3A_152 = arith.constant 0 : i32
      %dma_wait3A_153 = arith.constant 0 : i32
      %dma_wait3A_154 = tpu.memref_slice %arg4[%dma_wait3A_152, %dma_wait3A_153] : memref<32x128xf32, #tpu.memory_space<vmem>> -> memref<16x128xf32, #tpu.memory_space<vmem>>
      %dma_wait3A_155 = arith.constant 0 : i32
      %dma_wait3A_156 = arith.constant 0 : i32
      %dma_wait3A_157 = tpu.memref_slice %arg2[%dma_wait3A_143, %dma_wait3A_155, %dma_wait3A_144, %dma_wait3A_156] : memref<512x16x8x128xf32, #tpu.memory_space<hbm>> -> memref<1x16x1x128xf32, #tpu.memory_space<hbm>>
      %dma_wait3A_158 = tpu.memref_squeeze %dma_wait3A_157 : memref<1x16x1x128xf32, #tpu.memory_space<hbm>> -> memref<16x128xf32, #tpu.memory_space<hbm>>
      tpu.wait_dma2 semaphore(%arg12 : memref<!tpu.dma_semaphore, #tpu.memory_space<semaphore_mem>>) src(%dma_wait3A_158 : memref<16x128xf32, #tpu.memory_space<hbm>>) dst(%dma_wait3A_154 : memref<16x128xf32, #tpu.memory_space<vmem>>)
      %dma_wait3A_159 = arith.constant 0 : i32
      %dma_wait3A_160 = arith.constant 0 : i32
      %dma_wait3A_161 = arith.constant 16 : i32
      %dma_wait3A_162 = arith.constant 0 : i32
      %dma_wait3A_163 = tpu.memref_slice %arg4[%dma_wait3A_161, %dma_wait3A_162] : memref<32x128xf32, #tpu.memory_space<vmem>> -> memref<16x128xf32, #tpu.memory_space<vmem>>
      %dma_wait3A_164 = arith.constant 0 : i32
      %dma_wait3A_165 = arith.constant 0 : i32
      %dma_wait3A_166 = tpu.memref_slice %arg2[%dma_wait3A_159, %dma_wait3A_164, %dma_wait3A_160, %dma_wait3A_165] : memref<512x16x8x128xf32, #tpu.memory_space<hbm>> -> memref<1x16x1x128xf32, #tpu.memory_space<hbm>>
      %dma_wait3A_167 = tpu.memref_squeeze %dma_wait3A_166 : memref<1x16x1x128xf32, #tpu.memory_space<hbm>> -> memref<16x128xf32, #tpu.memory_space<hbm>>
      %dma_wait3A_168 = arith.constant 16 : i32
      %dma_wait3A_169 = arith.constant 0 : i32
      %dma_wait3A_170 = tpu.memref_slice %arg4[%dma_wait3A_168, %dma_wait3A_169] : memref<32x128xf32, #tpu.memory_space<vmem>> -> memref<16x128xf32, #tpu.memory_space<vmem>>
      %dma_wait3A_171 = arith.constant 0 : i32
      %dma_wait3A_172 = arith.constant 0 : i32
      %dma_wait3A_173 = tpu.memref_slice %arg2[%dma_wait3A_159, %dma_wait3A_171, %dma_wait3A_160, %dma_wait3A_172] : memref<512x16x8x128xf32, #tpu.memory_space<hbm>> -> memref<1x16x1x128xf32, #tpu.memory_space<hbm>>
      %dma_wait3A_174 = tpu.memref_squeeze %dma_wait3A_173 : memref<1x16x1x128xf32, #tpu.memory_space<hbm>> -> memref<16x128xf32, #tpu.memory_space<hbm>>
      tpu.wait_dma2 semaphore(%arg12 : memref<!tpu.dma_semaphore, #tpu.memory_space<semaphore_mem>>) src(%dma_wait3A_174 : memref<16x128xf32, #tpu.memory_space<hbm>>) dst(%dma_wait3A_170 : memref<16x128xf32, #tpu.memory_space<vmem>>)
      %gt3A = arith.constant 0 : i32
      %gt3A_175 = arith.cmpi sgt, %scan3A_137, %gt3A : i32
      %convert_element_type3A = arith.extui %gt3A_175 : i1 to i32
      %cond3A = arith.constant 0 : i32
      %cond3A_176 = arith.cmpi ne, %convert_element_type3A, %cond3A : i32
      scf.if %cond3A_176 {
        %dma_wait3A_284 = arith.constant 0 : i32
        %dma_wait3A_285 = tpu.memref_slice %arg6[%dma_wait3A_284] : memref<32768xf32, #tpu.memory_space<vmem>> -> memref<16384xf32, #tpu.memory_space<vmem>>
        %dma_wait3A_286 = tpu.memref_slice %arg3[%mul3A_6] : memref<67108864xf32, #tpu.memory_space<hbm>> -> memref<16384xf32, #tpu.memory_space<hbm>>
        %dma_wait3A_287 = tpu.memref_slice %arg3[%mul3A_6] : memref<67108864xf32, #tpu.memory_space<hbm>> -> memref<16384xf32, #tpu.memory_space<hbm>>
        %dma_wait3A_288 = arith.constant 0 : i32
        %dma_wait3A_289 = tpu.memref_slice %arg6[%dma_wait3A_288] : memref<32768xf32, #tpu.memory_space<vmem>> -> memref<16384xf32, #tpu.memory_space<vmem>>
        tpu.wait_dma2 semaphore(%arg14 : memref<!tpu.dma_semaphore, #tpu.memory_space<semaphore_mem>>) src(%dma_wait3A_289 : memref<16384xf32, #tpu.memory_space<vmem>>) dst(%dma_wait3A_287 : memref<16384xf32, #tpu.memory_space<hbm>>)
        %dma_wait3A_290 = arith.constant 0 : i32
        %dma_wait3A_291 = tpu.memref_slice %arg6[%dma_wait3A_290] : memref<32768xf32, #tpu.memory_space<vmem>> -> memref<16384xf32, #tpu.memory_space<vmem>>
        %dma_wait3A_292 = tpu.memref_slice %arg3[%mul3A_6] : memref<67108864xf32, #tpu.memory_space<hbm>> -> memref<16384xf32, #tpu.memory_space<hbm>>
        %dma_wait3A_293 = tpu.memref_slice %arg3[%mul3A_6] : memref<67108864xf32, #tpu.memory_space<hbm>> -> memref<16384xf32, #tpu.memory_space<hbm>>
        %dma_wait3A_294 = arith.constant 0 : i32
        %dma_wait3A_295 = tpu.memref_slice %arg6[%dma_wait3A_294] : memref<32768xf32, #tpu.memory_space<vmem>> -> memref<16384xf32, #tpu.memory_space<vmem>>
        tpu.wait_dma2 semaphore(%arg14 : memref<!tpu.dma_semaphore, #tpu.memory_space<semaphore_mem>>) src(%dma_wait3A_295 : memref<16384xf32, #tpu.memory_space<vmem>>) dst(%dma_wait3A_293 : memref<16384xf32, #tpu.memory_space<hbm>>)
      } else {
      }
      %parallel_loop3A_177 = arith.constant 0 : i32
      %parallel_loop3A_178 = arith.constant 256 : i32
      %parallel_loop3A_179 = arith.constant 1 : i32
      scf.for %parallel_loop3A_284 = %parallel_loop3A_177 to %parallel_loop3A_178 step %parallel_loop3A_179  : i32 {
        %parallel_loop3A_285 = arith.constant 16 : i32
        %parallel_loop3A_286 = arith.muli %parallel_loop3A_284, %parallel_loop3A_285 : i32
        %parallel_loop3A_287 = arith.index_cast %parallel_loop3A_286 : i32 to index
        %parallel_loop3A_288 = tpu.vector_load %arg10[%parallel_loop3A_287] {strides = array<i32>} : memref<4096xi32, #tpu.memory_space<vmem>>, vector<16xi32>,
        tpu.vector_store_idx %arg6[%parallel_loop3A_288], %broadcast_in_dim3A_9 : memref<32768xf32, #tpu.memory_space<vmem>>[vector<16xi32>], vector<16xf32>,
      } {sc.loop_unroll_factor = 8 : i64, sc.parallel_access}
      %parallel_loop3A_180 = arith.constant 0 : i32
      %parallel_loop3A_181 = arith.constant 256 : i32
      %parallel_loop3A_182 = arith.constant 1 : i32
      scf.for %parallel_loop3A_284 = %parallel_loop3A_180 to %parallel_loop3A_181 step %parallel_loop3A_182  : i32 {
        %parallel_loop3A_285 = arith.constant 3 : i32
        %parallel_loop3A_286 = arith.shrsi %parallel_loop3A_284, %parallel_loop3A_285 : i32
        %parallel_loop3A_287 = arith.constant 7 : i32
        %parallel_loop3A_288 = arith.andi %parallel_loop3A_284, %parallel_loop3A_287 : i32
        %parallel_loop3A_289 = arith.constant 4 : i32
        %parallel_loop3A_290 = arith.shli %parallel_loop3A_288, %parallel_loop3A_289 : i32
        %parallel_loop3A_291 = arith.index_cast %parallel_loop3A_286 : i32 to index
        %parallel_loop3A_292 = arith.index_cast %parallel_loop3A_290 : i32 to index
        %parallel_loop3A_293 = tpu.vector_load %arg4[%parallel_loop3A_291, %parallel_loop3A_292] {strides = array<i32>} : memref<32x128xf32, #tpu.memory_space<vmem>>, vector<16xf32>,
        %parallel_loop3A_294 = arith.addf %parallel_loop3A_293, %select_n3A : vector<16xf32>
        %parallel_loop3A_295 = arith.constant 6.28318548 : f32
        %parallel_loop3A_296 = vector.broadcast %parallel_loop3A_295 : f32 to vector<16xf32>
        %parallel_loop3A_297 = arith.remf %parallel_loop3A_294, %parallel_loop3A_296 : vector<16xf32>
        %parallel_loop3A_298 = arith.constant 0.000000e+00 : f32
        %parallel_loop3A_299 = vector.broadcast %parallel_loop3A_298 : f32 to vector<16xf32>
        %parallel_loop3A_300 = arith.cmpf olt, %parallel_loop3A_297, %parallel_loop3A_299 : vector<16xf32>
        %parallel_loop3A_301 = arith.constant 6.28318548 : f32
        %parallel_loop3A_302 = vector.broadcast %parallel_loop3A_301 : f32 to vector<16xf32>
        %parallel_loop3A_303 = arith.addf %parallel_loop3A_297, %parallel_loop3A_302 : vector<16xf32>
        %parallel_loop3A_304 = arith.select %parallel_loop3A_300, %parallel_loop3A_303, %parallel_loop3A_297 : vector<16xi1>, vector<16xf32>
        %parallel_loop3A_305 = arith.constant 1.27323949 : f32
        %parallel_loop3A_306 = vector.broadcast %parallel_loop3A_305 : f32 to vector<16xf32>
        %parallel_loop3A_307 = arith.mulf %parallel_loop3A_304, %parallel_loop3A_306 : vector<16xf32>
        %parallel_loop3A_308 = arith.fptosi %parallel_loop3A_307 : vector<16xf32> to vector<16xi32>
        %parallel_loop3A_309 = arith.constant 7 : i32
        %parallel_loop3A_310 = vector.broadcast %parallel_loop3A_309 : i32 to vector<16xi32>
        %parallel_loop3A_311 = arith.minsi %parallel_loop3A_308, %parallel_loop3A_310 : vector<16xi32>
        %parallel_loop3A_312 = arith.constant 6.28318548 : f32
        %parallel_loop3A_313 = vector.broadcast %parallel_loop3A_312 : f32 to vector<16xf32>
        %parallel_loop3A_314 = arith.cmpf olt, %parallel_loop3A_304, %parallel_loop3A_313 : vector<16xf32>
        %parallel_loop3A_315 = arith.constant 3 : i32
        %parallel_loop3A_316 = arith.shrsi %parallel_loop3A_284, %parallel_loop3A_315 : i32
        %parallel_loop3A_317 = arith.constant 10 : i32
        %parallel_loop3A_318 = arith.shli %parallel_loop3A_316, %parallel_loop3A_317 : i32
        %parallel_loop3A_319 = arith.constant 7 : i32
        %parallel_loop3A_320 = arith.andi %parallel_loop3A_284, %parallel_loop3A_319 : i32
        %parallel_loop3A_321 = arith.constant 4 : i32
        %parallel_loop3A_322 = arith.shli %parallel_loop3A_320, %parallel_loop3A_321 : i32
        %parallel_loop3A_323 = arith.addi %parallel_loop3A_318, %parallel_loop3A_322 : i32
        %parallel_loop3A_324 = arith.constant 7 : i32
        %parallel_loop3A_325 = vector.broadcast %parallel_loop3A_324 : i32 to vector<16xi32>
        %parallel_loop3A_326 = arith.shli %parallel_loop3A_311, %parallel_loop3A_325 : vector<16xi32>
        %parallel_loop3A_327 = vector.broadcast %parallel_loop3A_323 : i32 to vector<16xi32>
        %parallel_loop3A_328 = arith.addi %iota3A, %parallel_loop3A_327 : vector<16xi32>
        %parallel_loop3A_329 = arith.addi %parallel_loop3A_326, %parallel_loop3A_328 : vector<16xi32>
        tpu.vector_store_idx %arg6[%parallel_loop3A_329], %broadcast_in_dim3A_7 masked %parallel_loop3A_314 : memref<32768xf32, #tpu.memory_space<vmem>>[vector<16xi32>], vector<16xf32>, vector<16xi1>
        %parallel_loop3A_330 = arith.constant 16 : i32
        %parallel_loop3A_331 = arith.muli %parallel_loop3A_284, %parallel_loop3A_330 : i32
        %parallel_loop3A_332 = arith.index_cast %parallel_loop3A_331 : i32 to index
        %parallel_loop3A_333 = tpu.vector_load %arg10[%parallel_loop3A_332] {strides = array<i32>} : memref<4096xi32, #tpu.memory_space<vmem>>, vector<16xi32>,
        tpu.vector_store %arg10[%parallel_loop3A_332], %parallel_loop3A_329 {strides = array<i32>} : memref<4096xi32, #tpu.memory_space<vmem>>, vector<16xi32>,
      } {sc.loop_unroll_factor = 8 : i64, sc.parallel_access}
      %mul3A_183 = arith.constant 32768 : i32
      %mul3A_184 = arith.muli %add3A_142, %mul3A_183 : i32
      %add3A_185 = arith.addi %mul3A_6, %mul3A_184 : i32
      %dma_start3A_186 = arith.constant 0 : i32
      %dma_start3A_187 = tpu.memref_slice %arg6[%dma_start3A_186] : memref<32768xf32, #tpu.memory_space<vmem>> -> memref<16384xf32, #tpu.memory_space<vmem>>
      %dma_start3A_188 = tpu.memref_slice %arg3[%add3A_185] : memref<67108864xf32, #tpu.memory_space<hbm>> -> memref<16384xf32, #tpu.memory_space<hbm>>
      %dma_start3A_189 = tpu.memref_slice %arg3[%add3A_185] : memref<67108864xf32, #tpu.memory_space<hbm>> -> memref<16384xf32, #tpu.memory_space<hbm>>
      %dma_start3A_190 = arith.constant 0 : i32
      %dma_start3A_191 = tpu.memref_slice %arg6[%dma_start3A_190] : memref<32768xf32, #tpu.memory_space<vmem>> -> memref<16384xf32, #tpu.memory_space<vmem>>
      tpu.enqueue_dma source(%dma_start3A_191 : memref<16384xf32, #tpu.memory_space<vmem>>) target(%dma_start3A_189 : memref<16384xf32, #tpu.memory_space<hbm>>) target_semaphore(%arg14 : memref<!tpu.dma_semaphore, #tpu.memory_space<semaphore_mem>>)
      %mul3A_192 = arith.constant 32768 : i32
      %mul3A_193 = arith.muli %add3A_142, %mul3A_192 : i32
      %add3A_194 = arith.addi %mul3A_6, %mul3A_193 : i32
      %add3A_195 = arith.constant 16384 : i32
      %add3A_196 = arith.addi %add3A_194, %add3A_195 : i32
      %dma_start3A_197 = arith.constant 16384 : i32
      %dma_start3A_198 = tpu.memref_slice %arg6[%dma_start3A_197] : memref<32768xf32, #tpu.memory_space<vmem>> -> memref<16384xf32, #tpu.memory_space<vmem>>
      %dma_start3A_199 = tpu.memref_slice %arg3[%add3A_196] : memref<67108864xf32, #tpu.memory_space<hbm>> -> memref<16384xf32, #tpu.memory_space<hbm>>
      %dma_start3A_200 = tpu.memref_slice %arg3[%add3A_196] : memref<67108864xf32, #tpu.memory_space<hbm>> -> memref<16384xf32, #tpu.memory_space<hbm>>
      %dma_start3A_201 = arith.constant 16384 : i32
      %dma_start3A_202 = tpu.memref_slice %arg6[%dma_start3A_201] : memref<32768xf32, #tpu.memory_space<vmem>> -> memref<16384xf32, #tpu.memory_space<vmem>>
      tpu.enqueue_dma source(%dma_start3A_202 : memref<16384xf32, #tpu.memory_space<vmem>>) target(%dma_start3A_200 : memref<16384xf32, #tpu.memory_space<hbm>>) target_semaphore(%arg14 : memref<!tpu.dma_semaphore, #tpu.memory_space<semaphore_mem>>)
      %add3A_203 = arith.constant 2 : i32
      %add3A_204 = arith.addi %add3A_142, %add3A_203 : i32
      %lt3A = arith.constant 64 : i32
      %lt3A_205 = arith.cmpi slt, %add3A_204, %lt3A : i32
      %convert_element_type3A_206 = arith.extui %lt3A_205 : i1 to i32
      %cond3A_207 = arith.constant 0 : i32
      %cond3A_208 = arith.cmpi ne, %convert_element_type3A_206, %cond3A_207 : i32
      scf.if %cond3A_208 {
        %add3A_284 = arith.constant 2 : i32
        %add3A_285 = arith.addi %add3A_142, %add3A_284 : i32
        %mul3A_286 = arith.constant 2 : i32
        %mul3A_287 = arith.muli %add3A_285, %mul3A_286 : i32
        %add3A_288 = arith.addi %mul3A_2, %mul3A_287 : i32
        %add3A_289 = arith.constant 0 : i32
        %add3A_290 = arith.addi %add3A_288, %add3A_289 : i32
        %shift_right_arithmetic3A_291 = arith.constant 3 : i32
        %shift_right_arithmetic3A_292 = arith.shrsi %add3A_290, %shift_right_arithmetic3A_291 : i32
        %and3A_293 = arith.constant 7 : i32
        %and3A_294 = arith.andi %add3A_290, %and3A_293 : i32
        %dma_start3A_295 = arith.constant 0 : i32
        %dma_start3A_296 = arith.constant 0 : i32
        %dma_start3A_297 = tpu.memref_slice %arg4[%dma_start3A_295, %dma_start3A_296] : memref<32x128xf32, #tpu.memory_space<vmem>> -> memref<16x128xf32, #tpu.memory_space<vmem>>
        %dma_start3A_298 = arith.constant 0 : i32
        %dma_start3A_299 = arith.constant 0 : i32
        %dma_start3A_300 = tpu.memref_slice %arg2[%shift_right_arithmetic3A_292, %dma_start3A_298, %and3A_294, %dma_start3A_299] : memref<512x16x8x128xf32, #tpu.memory_space<hbm>> -> memref<1x16x1x128xf32, #tpu.memory_space<hbm>>
        %dma_start3A_301 = tpu.memref_squeeze %dma_start3A_300 : memref<1x16x1x128xf32, #tpu.memory_space<hbm>> -> memref<16x128xf32, #tpu.memory_space<hbm>>
        %dma_start3A_302 = arith.constant 0 : i32
        %dma_start3A_303 = arith.constant 0 : i32
        %dma_start3A_304 = tpu.memref_slice %arg4[%dma_start3A_302, %dma_start3A_303] : memref<32x128xf32, #tpu.memory_space<vmem>> -> memref<16x128xf32, #tpu.memory_space<vmem>>
        %dma_start3A_305 = arith.constant 0 : i32
        %dma_start3A_306 = arith.constant 0 : i32
        %dma_start3A_307 = tpu.memref_slice %arg2[%shift_right_arithmetic3A_292, %dma_start3A_305, %and3A_294, %dma_start3A_306] : memref<512x16x8x128xf32, #tpu.memory_space<hbm>> -> memref<1x16x1x128xf32, #tpu.memory_space<hbm>>
        %dma_start3A_308 = tpu.memref_squeeze %dma_start3A_307 : memref<1x16x1x128xf32, #tpu.memory_space<hbm>> -> memref<16x128xf32, #tpu.memory_space<hbm>>
        tpu.enqueue_dma source(%dma_start3A_308 : memref<16x128xf32, #tpu.memory_space<hbm>>) target(%dma_start3A_304 : memref<16x128xf32, #tpu.memory_space<vmem>>) target_semaphore(%arg12 : memref<!tpu.dma_semaphore, #tpu.memory_space<semaphore_mem>>)
        %mul3A_309 = arith.constant 2 : i32
        %mul3A_310 = arith.muli %add3A_285, %mul3A_309 : i32
        %add3A_311 = arith.addi %mul3A_2, %mul3A_310 : i32
        %add3A_312 = arith.constant 1 : i32
        %add3A_313 = arith.addi %add3A_311, %add3A_312 : i32
        %shift_right_arithmetic3A_314 = arith.constant 3 : i32
        %shift_right_arithmetic3A_315 = arith.shrsi %add3A_313, %shift_right_arithmetic3A_314 : i32
        %and3A_316 = arith.constant 7 : i32
        %and3A_317 = arith.andi %add3A_313, %and3A_316 : i32
        %dma_start3A_318 = arith.constant 16 : i32
        %dma_start3A_319 = arith.constant 0 : i32
        %dma_start3A_320 = tpu.memref_slice %arg4[%dma_start3A_318, %dma_start3A_319] : memref<32x128xf32, #tpu.memory_space<vmem>> -> memref<16x128xf32, #tpu.memory_space<vmem>>
        %dma_start3A_321 = arith.constant 0 : i32
        %dma_start3A_322 = arith.constant 0 : i32
        %dma_start3A_323 = tpu.memref_slice %arg2[%shift_right_arithmetic3A_315, %dma_start3A_321, %and3A_317, %dma_start3A_322] : memref<512x16x8x128xf32, #tpu.memory_space<hbm>> -> memref<1x16x1x128xf32, #tpu.memory_space<hbm>>
        %dma_start3A_324 = tpu.memref_squeeze %dma_start3A_323 : memref<1x16x1x128xf32, #tpu.memory_space<hbm>> -> memref<16x128xf32, #tpu.memory_space<hbm>>
        %dma_start3A_325 = arith.constant 16 : i32
        %dma_start3A_326 = arith.constant 0 : i32
        %dma_start3A_327 = tpu.memref_slice %arg4[%dma_start3A_325, %dma_start3A_326] : memref<32x128xf32, #tpu.memory_space<vmem>> -> memref<16x128xf32, #tpu.memory_space<vmem>>
        %dma_start3A_328 = arith.constant 0 : i32
        %dma_start3A_329 = arith.constant 0 : i32
        %dma_start3A_330 = tpu.memref_slice %arg2[%shift_right_arithmetic3A_315, %dma_start3A_328, %and3A_317, %dma_start3A_329] : memref<512x16x8x128xf32, #tpu.memory_space<hbm>> -> memref<1x16x1x128xf32, #tpu.memory_space<hbm>>
        %dma_start3A_331 = tpu.memref_squeeze %dma_start3A_330 : memref<1x16x1x128xf32, #tpu.memory_space<hbm>> -> memref<16x128xf32, #tpu.memory_space<hbm>>
        tpu.enqueue_dma source(%dma_start3A_331 : memref<16x128xf32, #tpu.memory_space<hbm>>) target(%dma_start3A_327 : memref<16x128xf32, #tpu.memory_space<vmem>>) target_semaphore(%arg12 : memref<!tpu.dma_semaphore, #tpu.memory_space<semaphore_mem>>)
      } else {
      }
      %mul3A_209 = arith.constant 2 : i32
      %mul3A_210 = arith.muli %mul3A_209, %scan3A_137 : i32
      %add3A_211 = arith.constant 1 : i32
      %add3A_212 = arith.addi %mul3A_210, %add3A_211 : i32
      %dma_wait3A_213 = arith.constant 0 : i32
      %dma_wait3A_214 = arith.constant 0 : i32
      %dma_wait3A_215 = arith.constant 0 : i32
      %dma_wait3A_216 = arith.constant 0 : i32
      %dma_wait3A_217 = tpu.memref_slice %arg5[%dma_wait3A_215, %dma_wait3A_216] : memref<32x128xf32, #tpu.memory_space<vmem>> -> memref<16x128xf32, #tpu.memory_space<vmem>>
      %dma_wait3A_218 = arith.constant 0 : i32
      %dma_wait3A_219 = arith.constant 0 : i32
      %dma_wait3A_220 = tpu.memref_slice %arg2[%dma_wait3A_213, %dma_wait3A_218, %dma_wait3A_214, %dma_wait3A_219] : memref<512x16x8x128xf32, #tpu.memory_space<hbm>> -> memref<1x16x1x128xf32, #tpu.memory_space<hbm>>
      %dma_wait3A_221 = tpu.memref_squeeze %dma_wait3A_220 : memref<1x16x1x128xf32, #tpu.memory_space<hbm>> -> memref<16x128xf32, #tpu.memory_space<hbm>>
      %dma_wait3A_222 = arith.constant 0 : i32
      %dma_wait3A_223 = arith.constant 0 : i32
      %dma_wait3A_224 = tpu.memref_slice %arg5[%dma_wait3A_222, %dma_wait3A_223] : memref<32x128xf32, #tpu.memory_space<vmem>> -> memref<16x128xf32, #tpu.memory_space<vmem>>
      %dma_wait3A_225 = arith.constant 0 : i32
      %dma_wait3A_226 = arith.constant 0 : i32
      %dma_wait3A_227 = tpu.memref_slice %arg2[%dma_wait3A_213, %dma_wait3A_225, %dma_wait3A_214, %dma_wait3A_226] : memref<512x16x8x128xf32, #tpu.memory_space<hbm>> -> memref<1x16x1x128xf32, #tpu.memory_space<hbm>>
      %dma_wait3A_228 = tpu.memref_squeeze %dma_wait3A_227 : memref<1x16x1x128xf32, #tpu.memory_space<hbm>> -> memref<16x128xf32, #tpu.memory_space<hbm>>
      tpu.wait_dma2 semaphore(%arg13 : memref<!tpu.dma_semaphore, #tpu.memory_space<semaphore_mem>>) src(%dma_wait3A_228 : memref<16x128xf32, #tpu.memory_space<hbm>>) dst(%dma_wait3A_224 : memref<16x128xf32, #tpu.memory_space<vmem>>)
      %dma_wait3A_229 = arith.constant 0 : i32
      %dma_wait3A_230 = arith.constant 0 : i32
      %dma_wait3A_231 = arith.constant 16 : i32
      %dma_wait3A_232 = arith.constant 0 : i32
      %dma_wait3A_233 = tpu.memref_slice %arg5[%dma_wait3A_231, %dma_wait3A_232] : memref<32x128xf32, #tpu.memory_space<vmem>> -> memref<16x128xf32, #tpu.memory_space<vmem>>
      %dma_wait3A_234 = arith.constant 0 : i32
      %dma_wait3A_235 = arith.constant 0 : i32
      %dma_wait3A_236 = tpu.memref_slice %arg2[%dma_wait3A_229, %dma_wait3A_234, %dma_wait3A_230, %dma_wait3A_235] : memref<512x16x8x128xf32, #tpu.memory_space<hbm>> -> memref<1x16x1x128xf32, #tpu.memory_space<hbm>>
      %dma_wait3A_237 = tpu.memref_squeeze %dma_wait3A_236 : memref<1x16x1x128xf32, #tpu.memory_space<hbm>> -> memref<16x128xf32, #tpu.memory_space<hbm>>
      %dma_wait3A_238 = arith.constant 16 : i32
      %dma_wait3A_239 = arith.constant 0 : i32
      %dma_wait3A_240 = tpu.memref_slice %arg5[%dma_wait3A_238, %dma_wait3A_239] : memref<32x128xf32, #tpu.memory_space<vmem>> -> memref<16x128xf32, #tpu.memory_space<vmem>>
      %dma_wait3A_241 = arith.constant 0 : i32
      %dma_wait3A_242 = arith.constant 0 : i32
      %dma_wait3A_243 = tpu.memref_slice %arg2[%dma_wait3A_229, %dma_wait3A_241, %dma_wait3A_230, %dma_wait3A_242] : memref<512x16x8x128xf32, #tpu.memory_space<hbm>> -> memref<1x16x1x128xf32, #tpu.memory_space<hbm>>
      %dma_wait3A_244 = tpu.memref_squeeze %dma_wait3A_243 : memref<1x16x1x128xf32, #tpu.memory_space<hbm>> -> memref<16x128xf32, #tpu.memory_space<hbm>>
      tpu.wait_dma2 semaphore(%arg13 : memref<!tpu.dma_semaphore, #tpu.memory_space<semaphore_mem>>) src(%dma_wait3A_244 : memref<16x128xf32, #tpu.memory_space<hbm>>) dst(%dma_wait3A_240 : memref<16x128xf32, #tpu.memory_space<vmem>>)
      %gt3A_245 = arith.constant 0 : i32
      %gt3A_246 = arith.cmpi sgt, %scan3A_137, %gt3A_245 : i32
      %convert_element_type3A_247 = arith.extui %gt3A_246 : i1 to i32
      %cond3A_248 = arith.constant 0 : i32
      %cond3A_249 = arith.cmpi ne, %convert_element_type3A_247, %cond3A_248 : i32
      scf.if %cond3A_249 {
        %dma_wait3A_284 = arith.constant 0 : i32
        %dma_wait3A_285 = tpu.memref_slice %arg7[%dma_wait3A_284] : memref<32768xf32, #tpu.memory_space<vmem>> -> memref<16384xf32, #tpu.memory_space<vmem>>
        %dma_wait3A_286 = tpu.memref_slice %arg3[%mul3A_6] : memref<67108864xf32, #tpu.memory_space<hbm>> -> memref<16384xf32, #tpu.memory_space<hbm>>
        %dma_wait3A_287 = tpu.memref_slice %arg3[%mul3A_6] : memref<67108864xf32, #tpu.memory_space<hbm>> -> memref<16384xf32, #tpu.memory_space<hbm>>
        %dma_wait3A_288 = arith.constant 0 : i32
        %dma_wait3A_289 = tpu.memref_slice %arg7[%dma_wait3A_288] : memref<32768xf32, #tpu.memory_space<vmem>> -> memref<16384xf32, #tpu.memory_space<vmem>>
        tpu.wait_dma2 semaphore(%arg15 : memref<!tpu.dma_semaphore, #tpu.memory_space<semaphore_mem>>) src(%dma_wait3A_289 : memref<16384xf32, #tpu.memory_space<vmem>>) dst(%dma_wait3A_287 : memref<16384xf32, #tpu.memory_space<hbm>>)
        %dma_wait3A_290 = arith.constant 0 : i32
        %dma_wait3A_291 = tpu.memref_slice %arg7[%dma_wait3A_290] : memref<32768xf32, #tpu.memory_space<vmem>> -> memref<16384xf32, #tpu.memory_space<vmem>>
        %dma_wait3A_292 = tpu.memref_slice %arg3[%mul3A_6] : memref<67108864xf32, #tpu.memory_space<hbm>> -> memref<16384xf32, #tpu.memory_space<hbm>>
        %dma_wait3A_293 = tpu.memref_slice %arg3[%mul3A_6] : memref<67108864xf32, #tpu.memory_space<hbm>> -> memref<16384xf32, #tpu.memory_space<hbm>>
        %dma_wait3A_294 = arith.constant 0 : i32
        %dma_wait3A_295 = tpu.memref_slice %arg7[%dma_wait3A_294] : memref<32768xf32, #tpu.memory_space<vmem>> -> memref<16384xf32, #tpu.memory_space<vmem>>
        tpu.wait_dma2 semaphore(%arg15 : memref<!tpu.dma_semaphore, #tpu.memory_space<semaphore_mem>>) src(%dma_wait3A_295 : memref<16384xf32, #tpu.memory_space<vmem>>) dst(%dma_wait3A_293 : memref<16384xf32, #tpu.memory_space<hbm>>)
      } else {
      }
      %parallel_loop3A_250 = arith.constant 0 : i32
      %parallel_loop3A_251 = arith.constant 256 : i32
      %parallel_loop3A_252 = arith.constant 1 : i32
      scf.for %parallel_loop3A_284 = %parallel_loop3A_250 to %parallel_loop3A_251 step %parallel_loop3A_252  : i32 {
        %parallel_loop3A_285 = arith.constant 16 : i32
        %parallel_loop3A_286 = arith.muli %parallel_loop3A_284, %parallel_loop3A_285 : i32
        %parallel_loop3A_287 = arith.index_cast %parallel_loop3A_286 : i32 to index
        %parallel_loop3A_288 = tpu.vector_load %arg11[%parallel_loop3A_287] {strides = array<i32>} : memref<4096xi32, #tpu.memory_space<vmem>>, vector<16xi32>,
        tpu.vector_store_idx %arg7[%parallel_loop3A_288], %broadcast_in_dim3A_9 : memref<32768xf32, #tpu.memory_space<vmem>>[vector<16xi32>], vector<16xf32>,
      } {sc.loop_unroll_factor = 8 : i64, sc.parallel_access}
      %parallel_loop3A_253 = arith.constant 0 : i32
      %parallel_loop3A_254 = arith.constant 256 : i32
      %parallel_loop3A_255 = arith.constant 1 : i32
      scf.for %parallel_loop3A_284 = %parallel_loop3A_253 to %parallel_loop3A_254 step %parallel_loop3A_255  : i32 {
        %parallel_loop3A_285 = arith.constant 3 : i32
        %parallel_loop3A_286 = arith.shrsi %parallel_loop3A_284, %parallel_loop3A_285 : i32
        %parallel_loop3A_287 = arith.constant 7 : i32
        %parallel_loop3A_288 = arith.andi %parallel_loop3A_284, %parallel_loop3A_287 : i32
        %parallel_loop3A_289 = arith.constant 4 : i32
        %parallel_loop3A_290 = arith.shli %parallel_loop3A_288, %parallel_loop3A_289 : i32
        %parallel_loop3A_291 = arith.index_cast %parallel_loop3A_286 : i32 to index
        %parallel_loop3A_292 = arith.index_cast %parallel_loop3A_290 : i32 to index
        %parallel_loop3A_293 = tpu.vector_load %arg5[%parallel_loop3A_291, %parallel_loop3A_292] {strides = array<i32>} : memref<32x128xf32, #tpu.memory_space<vmem>>, vector<16xf32>,
        %parallel_loop3A_294 = arith.addf %parallel_loop3A_293, %select_n3A : vector<16xf32>
        %parallel_loop3A_295 = arith.constant 6.28318548 : f32
        %parallel_loop3A_296 = vector.broadcast %parallel_loop3A_295 : f32 to vector<16xf32>
        %parallel_loop3A_297 = arith.remf %parallel_loop3A_294, %parallel_loop3A_296 : vector<16xf32>
        %parallel_loop3A_298 = arith.constant 0.000000e+00 : f32
        %parallel_loop3A_299 = vector.broadcast %parallel_loop3A_298 : f32 to vector<16xf32>
        %parallel_loop3A_300 = arith.cmpf olt, %parallel_loop3A_297, %parallel_loop3A_299 : vector<16xf32>
        %parallel_loop3A_301 = arith.constant 6.28318548 : f32
        %parallel_loop3A_302 = vector.broadcast %parallel_loop3A_301 : f32 to vector<16xf32>
        %parallel_loop3A_303 = arith.addf %parallel_loop3A_297, %parallel_loop3A_302 : vector<16xf32>
        %parallel_loop3A_304 = arith.select %parallel_loop3A_300, %parallel_loop3A_303, %parallel_loop3A_297 : vector<16xi1>, vector<16xf32>
        %parallel_loop3A_305 = arith.constant 1.27323949 : f32
        %parallel_loop3A_306 = vector.broadcast %parallel_loop3A_305 : f32 to vector<16xf32>
        %parallel_loop3A_307 = arith.mulf %parallel_loop3A_304, %parallel_loop3A_306 : vector<16xf32>
        %parallel_loop3A_308 = arith.fptosi %parallel_loop3A_307 : vector<16xf32> to vector<16xi32>
        %parallel_loop3A_309 = arith.constant 7 : i32
        %parallel_loop3A_310 = vector.broadcast %parallel_loop3A_309 : i32 to vector<16xi32>
        %parallel_loop3A_311 = arith.minsi %parallel_loop3A_308, %parallel_loop3A_310 : vector<16xi32>
        %parallel_loop3A_312 = arith.constant 6.28318548 : f32
        %parallel_loop3A_313 = vector.broadcast %parallel_loop3A_312 : f32 to vector<16xf32>
        %parallel_loop3A_314 = arith.cmpf olt, %parallel_loop3A_304, %parallel_loop3A_313 : vector<16xf32>
        %parallel_loop3A_315 = arith.constant 3 : i32
        %parallel_loop3A_316 = arith.shrsi %parallel_loop3A_284, %parallel_loop3A_315 : i32
        %parallel_loop3A_317 = arith.constant 10 : i32
        %parallel_loop3A_318 = arith.shli %parallel_loop3A_316, %parallel_loop3A_317 : i32
        %parallel_loop3A_319 = arith.constant 7 : i32
        %parallel_loop3A_320 = arith.andi %parallel_loop3A_284, %parallel_loop3A_319 : i32
        %parallel_loop3A_321 = arith.constant 4 : i32
        %parallel_loop3A_322 = arith.shli %parallel_loop3A_320, %parallel_loop3A_321 : i32
        %parallel_loop3A_323 = arith.addi %parallel_loop3A_318, %parallel_loop3A_322 : i32
        %parallel_loop3A_324 = arith.constant 7 : i32
        %parallel_loop3A_325 = vector.broadcast %parallel_loop3A_324 : i32 to vector<16xi32>
        %parallel_loop3A_326 = arith.shli %parallel_loop3A_311, %parallel_loop3A_325 : vector<16xi32>
        %parallel_loop3A_327 = vector.broadcast %parallel_loop3A_323 : i32 to vector<16xi32>
        %parallel_loop3A_328 = arith.addi %iota3A, %parallel_loop3A_327 : vector<16xi32>
        %parallel_loop3A_329 = arith.addi %parallel_loop3A_326, %parallel_loop3A_328 : vector<16xi32>
        tpu.vector_store_idx %arg7[%parallel_loop3A_329], %broadcast_in_dim3A_7 masked %parallel_loop3A_314 : memref<32768xf32, #tpu.memory_space<vmem>>[vector<16xi32>], vector<16xf32>, vector<16xi1>
        %parallel_loop3A_330 = arith.constant 16 : i32
        %parallel_loop3A_331 = arith.muli %parallel_loop3A_284, %parallel_loop3A_330 : i32
        %parallel_loop3A_332 = arith.index_cast %parallel_loop3A_331 : i32 to index
        %parallel_loop3A_333 = tpu.vector_load %arg11[%parallel_loop3A_332] {strides = array<i32>} : memref<4096xi32, #tpu.memory_space<vmem>>, vector<16xi32>,
        tpu.vector_store %arg11[%parallel_loop3A_332], %parallel_loop3A_329 {strides = array<i32>} : memref<4096xi32, #tpu.memory_space<vmem>>, vector<16xi32>,
      } {sc.loop_unroll_factor = 8 : i64, sc.parallel_access}
      %mul3A_256 = arith.constant 32768 : i32
      %mul3A_257 = arith.muli %add3A_212, %mul3A_256 : i32
      %add3A_258 = arith.addi %mul3A_6, %mul3A_257 : i32
      %dma_start3A_259 = arith.constant 0 : i32
      %dma_start3A_260 = tpu.memref_slice %arg7[%dma_start3A_259] : memref<32768xf32, #tpu.memory_space<vmem>> -> memref<16384xf32, #tpu.memory_space<vmem>>
      %dma_start3A_261 = tpu.memref_slice %arg3[%add3A_258] : memref<67108864xf32, #tpu.memory_space<hbm>> -> memref<16384xf32, #tpu.memory_space<hbm>>
      %dma_start3A_262 = tpu.memref_slice %arg3[%add3A_258] : memref<67108864xf32, #tpu.memory_space<hbm>> -> memref<16384xf32, #tpu.memory_space<hbm>>
      %dma_start3A_263 = arith.constant 0 : i32
      %dma_start3A_264 = tpu.memref_slice %arg7[%dma_start3A_263] : memref<32768xf32, #tpu.memory_space<vmem>> -> memref<16384xf32, #tpu.memory_space<vmem>>
      tpu.enqueue_dma source(%dma_start3A_264 : memref<16384xf32, #tpu.memory_space<vmem>>) target(%dma_start3A_262 : memref<16384xf32, #tpu.memory_space<hbm>>) target_semaphore(%arg15 : memref<!tpu.dma_semaphore, #tpu.memory_space<semaphore_mem>>)
      %mul3A_265 = arith.constant 32768 : i32
      %mul3A_266 = arith.muli %add3A_212, %mul3A_265 : i32
      %add3A_267 = arith.addi %mul3A_6, %mul3A_266 : i32
      %add3A_268 = arith.constant 16384 : i32
      %add3A_269 = arith.addi %add3A_267, %add3A_268 : i32
      %dma_start3A_270 = arith.constant 16384 : i32
      %dma_start3A_271 = tpu.memref_slice %arg7[%dma_start3A_270] : memref<32768xf32, #tpu.memory_space<vmem>> -> memref<16384xf32, #tpu.memory_space<vmem>>
      %dma_start3A_272 = tpu.memref_slice %arg3[%add3A_269] : memref<67108864xf32, #tpu.memory_space<hbm>> -> memref<16384xf32, #tpu.memory_space<hbm>>
      %dma_start3A_273 = tpu.memref_slice %arg3[%add3A_269] : memref<67108864xf32, #tpu.memory_space<hbm>> -> memref<16384xf32, #tpu.memory_space<hbm>>
      %dma_start3A_274 = arith.constant 16384 : i32
      %dma_start3A_275 = tpu.memref_slice %arg7[%dma_start3A_274] : memref<32768xf32, #tpu.memory_space<vmem>> -> memref<16384xf32, #tpu.memory_space<vmem>>
      tpu.enqueue_dma source(%dma_start3A_275 : memref<16384xf32, #tpu.memory_space<vmem>>) target(%dma_start3A_273 : memref<16384xf32, #tpu.memory_space<hbm>>) target_semaphore(%arg15 : memref<!tpu.dma_semaphore, #tpu.memory_space<semaphore_mem>>)
      %add3A_276 = arith.constant 2 : i32
      %add3A_277 = arith.addi %add3A_212, %add3A_276 : i32
      %lt3A_278 = arith.constant 64 : i32
      %lt3A_279 = arith.cmpi slt, %add3A_277, %lt3A_278 : i32
      %convert_element_type3A_280 = arith.extui %lt3A_279 : i1 to i32
      %cond3A_281 = arith.constant 0 : i32
      %cond3A_282 = arith.cmpi ne, %convert_element_type3A_280, %cond3A_281 : i32
      scf.if %cond3A_282 {
        %add3A_284 = arith.constant 2 : i32
        %add3A_285 = arith.addi %add3A_212, %add3A_284 : i32
        %mul3A_286 = arith.constant 2 : i32
        %mul3A_287 = arith.muli %add3A_285, %mul3A_286 : i32
        %add3A_288 = arith.addi %mul3A_2, %mul3A_287 : i32
        %add3A_289 = arith.constant 0 : i32
        %add3A_290 = arith.addi %add3A_288, %add3A_289 : i32
        %shift_right_arithmetic3A_291 = arith.constant 3 : i32
        %shift_right_arithmetic3A_292 = arith.shrsi %add3A_290, %shift_right_arithmetic3A_291 : i32
        %and3A_293 = arith.constant 7 : i32
        %and3A_294 = arith.andi %add3A_290, %and3A_293 : i32
        %dma_start3A_295 = arith.constant 0 : i32
        %dma_start3A_296 = arith.constant 0 : i32
        %dma_start3A_297 = tpu.memref_slice %arg5[%dma_start3A_295, %dma_start3A_296] : memref<32x128xf32, #tpu.memory_space<vmem>> -> memref<16x128xf32, #tpu.memory_space<vmem>>
        %dma_start3A_298 = arith.constant 0 : i32
        %dma_start3A_299 = arith.constant 0 : i32
        %dma_start3A_300 = tpu.memref_slice %arg2[%shift_right_arithmetic3A_292, %dma_start3A_298, %and3A_294, %dma_start3A_299] : memref<512x16x8x128xf32, #tpu.memory_space<hbm>> -> memref<1x16x1x128xf32, #tpu.memory_space<hbm>>
        %dma_start3A_301 = tpu.memref_squeeze %dma_start3A_300 : memref<1x16x1x128xf32, #tpu.memory_space<hbm>> -> memref<16x128xf32, #tpu.memory_space<hbm>>
        %dma_start3A_302 = arith.constant 0 : i32
        %dma_start3A_303 = arith.constant 0 : i32
        %dma_start3A_304 = tpu.memref_slice %arg5[%dma_start3A_302, %dma_start3A_303] : memref<32x128xf32, #tpu.memory_space<vmem>> -> memref<16x128xf32, #tpu.memory_space<vmem>>
        %dma_start3A_305 = arith.constant 0 : i32
        %dma_start3A_306 = arith.constant 0 : i32
        %dma_start3A_307 = tpu.memref_slice %arg2[%shift_right_arithmetic3A_292, %dma_start3A_305, %and3A_294, %dma_start3A_306] : memref<512x16x8x128xf32, #tpu.memory_space<hbm>> -> memref<1x16x1x128xf32, #tpu.memory_space<hbm>>
        %dma_start3A_308 = tpu.memref_squeeze %dma_start3A_307 : memref<1x16x1x128xf32, #tpu.memory_space<hbm>> -> memref<16x128xf32, #tpu.memory_space<hbm>>
        tpu.enqueue_dma source(%dma_start3A_308 : memref<16x128xf32, #tpu.memory_space<hbm>>) target(%dma_start3A_304 : memref<16x128xf32, #tpu.memory_space<vmem>>) target_semaphore(%arg13 : memref<!tpu.dma_semaphore, #tpu.memory_space<semaphore_mem>>)
        %mul3A_309 = arith.constant 2 : i32
        %mul3A_310 = arith.muli %add3A_285, %mul3A_309 : i32
        %add3A_311 = arith.addi %mul3A_2, %mul3A_310 : i32
        %add3A_312 = arith.constant 1 : i32
        %add3A_313 = arith.addi %add3A_311, %add3A_312 : i32
        %shift_right_arithmetic3A_314 = arith.constant 3 : i32
        %shift_right_arithmetic3A_315 = arith.shrsi %add3A_313, %shift_right_arithmetic3A_314 : i32
        %and3A_316 = arith.constant 7 : i32
        %and3A_317 = arith.andi %add3A_313, %and3A_316 : i32
        %dma_start3A_318 = arith.constant 16 : i32
        %dma_start3A_319 = arith.constant 0 : i32
        %dma_start3A_320 = tpu.memref_slice %arg5[%dma_start3A_318, %dma_start3A_319] : memref<32x128xf32, #tpu.memory_space<vmem>> -> memref<16x128xf32, #tpu.memory_space<vmem>>
        %dma_start3A_321 = arith.constant 0 : i32
        %dma_start3A_322 = arith.constant 0 : i32
        %dma_start3A_323 = tpu.memref_slice %arg2[%shift_right_arithmetic3A_315, %dma_start3A_321, %and3A_317, %dma_start3A_322] : memref<512x16x8x128xf32, #tpu.memory_space<hbm>> -> memref<1x16x1x128xf32, #tpu.memory_space<hbm>>
        %dma_start3A_324 = tpu.memref_squeeze %dma_start3A_323 : memref<1x16x1x128xf32, #tpu.memory_space<hbm>> -> memref<16x128xf32, #tpu.memory_space<hbm>>
        %dma_start3A_325 = arith.constant 16 : i32
        %dma_start3A_326 = arith.constant 0 : i32
        %dma_start3A_327 = tpu.memref_slice %arg5[%dma_start3A_325, %dma_start3A_326] : memref<32x128xf32, #tpu.memory_space<vmem>> -> memref<16x128xf32, #tpu.memory_space<vmem>>
        %dma_start3A_328 = arith.constant 0 : i32
        %dma_start3A_329 = arith.constant 0 : i32
        %dma_start3A_330 = tpu.memref_slice %arg2[%shift_right_arithmetic3A_315, %dma_start3A_328, %and3A_317, %dma_start3A_329] : memref<512x16x8x128xf32, #tpu.memory_space<hbm>> -> memref<1x16x1x128xf32, #tpu.memory_space<hbm>>
        %dma_start3A_331 = tpu.memref_squeeze %dma_start3A_330 : memref<1x16x1x128xf32, #tpu.memory_space<hbm>> -> memref<16x128xf32, #tpu.memory_space<hbm>>
        tpu.enqueue_dma source(%dma_start3A_331 : memref<16x128xf32, #tpu.memory_space<hbm>>) target(%dma_start3A_327 : memref<16x128xf32, #tpu.memory_space<vmem>>) target_semaphore(%arg13 : memref<!tpu.dma_semaphore, #tpu.memory_space<semaphore_mem>>)
      } else {
      }
      %scan3A_283 = arith.constant 0 : i32
      scf.yield %scan3A_283 : i32
    }
    %scan3A_113 = arith.constant 32 : i32
    %dma_wait3A = arith.constant 0 : i32
    %dma_wait3A_114 = tpu.memref_slice %arg6[%dma_wait3A] : memref<32768xf32, #tpu.memory_space<vmem>> -> memref<16384xf32, #tpu.memory_space<vmem>>
    %dma_wait3A_115 = tpu.memref_slice %arg3[%mul3A_6] : memref<67108864xf32, #tpu.memory_space<hbm>> -> memref<16384xf32, #tpu.memory_space<hbm>>
    %dma_wait3A_116 = tpu.memref_slice %arg3[%mul3A_6] : memref<67108864xf32, #tpu.memory_space<hbm>> -> memref<16384xf32, #tpu.memory_space<hbm>>
    %dma_wait3A_117 = arith.constant 0 : i32
    %dma_wait3A_118 = tpu.memref_slice %arg6[%dma_wait3A_117] : memref<32768xf32, #tpu.memory_space<vmem>> -> memref<16384xf32, #tpu.memory_space<vmem>>
    tpu.wait_dma2 semaphore(%arg14 : memref<!tpu.dma_semaphore, #tpu.memory_space<semaphore_mem>>) src(%dma_wait3A_118 : memref<16384xf32, #tpu.memory_space<vmem>>) dst(%dma_wait3A_116 : memref<16384xf32, #tpu.memory_space<hbm>>)
    %dma_wait3A_119 = arith.constant 0 : i32
    %dma_wait3A_120 = tpu.memref_slice %arg6[%dma_wait3A_119] : memref<32768xf32, #tpu.memory_space<vmem>> -> memref<16384xf32, #tpu.memory_space<vmem>>
    %dma_wait3A_121 = tpu.memref_slice %arg3[%mul3A_6] : memref<67108864xf32, #tpu.memory_space<hbm>> -> memref<16384xf32, #tpu.memory_space<hbm>>
    %dma_wait3A_122 = tpu.memref_slice %arg3[%mul3A_6] : memref<67108864xf32, #tpu.memory_space<hbm>> -> memref<16384xf32, #tpu.memory_space<hbm>>
    %dma_wait3A_123 = arith.constant 0 : i32
    %dma_wait3A_124 = tpu.memref_slice %arg6[%dma_wait3A_123] : memref<32768xf32, #tpu.memory_space<vmem>> -> memref<16384xf32, #tpu.memory_space<vmem>>
    tpu.wait_dma2 semaphore(%arg14 : memref<!tpu.dma_semaphore, #tpu.memory_space<semaphore_mem>>) src(%dma_wait3A_124 : memref<16384xf32, #tpu.memory_space<vmem>>) dst(%dma_wait3A_122 : memref<16384xf32, #tpu.memory_space<hbm>>)
    %dma_wait3A_125 = arith.constant 0 : i32
    %dma_wait3A_126 = tpu.memref_slice %arg7[%dma_wait3A_125] : memref<32768xf32, #tpu.memory_space<vmem>> -> memref<16384xf32, #tpu.memory_space<vmem>>
    %dma_wait3A_127 = tpu.memref_slice %arg3[%mul3A_6] : memref<67108864xf32, #tpu.memory_space<hbm>> -> memref<16384xf32, #tpu.memory_space<hbm>>
    %dma_wait3A_128 = tpu.memref_slice %arg3[%mul3A_6] : memref<67108864xf32, #tpu.memory_space<hbm>> -> memref<16384xf32, #tpu.memory_space<hbm>>
    %dma_wait3A_129 = arith.constant 0 : i32
    %dma_wait3A_130 = tpu.memref_slice %arg7[%dma_wait3A_129] : memref<32768xf32, #tpu.memory_space<vmem>> -> memref<16384xf32, #tpu.memory_space<vmem>>
    tpu.wait_dma2 semaphore(%arg15 : memref<!tpu.dma_semaphore, #tpu.memory_space<semaphore_mem>>) src(%dma_wait3A_130 : memref<16384xf32, #tpu.memory_space<vmem>>) dst(%dma_wait3A_128 : memref<16384xf32, #tpu.memory_space<hbm>>)
    %dma_wait3A_131 = arith.constant 0 : i32
    %dma_wait3A_132 = tpu.memref_slice %arg7[%dma_wait3A_131] : memref<32768xf32, #tpu.memory_space<vmem>> -> memref<16384xf32, #tpu.memory_space<vmem>>
    %dma_wait3A_133 = tpu.memref_slice %arg3[%mul3A_6] : memref<67108864xf32, #tpu.memory_space<hbm>> -> memref<16384xf32, #tpu.memory_space<hbm>>
    %dma_wait3A_134 = tpu.memref_slice %arg3[%mul3A_6] : memref<67108864xf32, #tpu.memory_space<hbm>> -> memref<16384xf32, #tpu.memory_space<hbm>>
    %dma_wait3A_135 = arith.constant 0 : i32
    %dma_wait3A_136 = tpu.memref_slice %arg7[%dma_wait3A_135] : memref<32768xf32, #tpu.memory_space<vmem>> -> memref<16384xf32, #tpu.memory_space<vmem>>
    tpu.wait_dma2 semaphore(%arg15 : memref<!tpu.dma_semaphore, #tpu.memory_space<semaphore_mem>>) src(%dma_wait3A_136 : memref<16384xf32, #tpu.memory_space<vmem>>) dst(%dma_wait3A_134 : memref<16384xf32, #tpu.memory_space<hbm>>)
    return
  }
}

</mosaic_0001>

<sc_bundles>
// kernel: kernel.3.cloned.1.call-start
scs
__scs_entry_jumppad:
0x0: {  	(pc) =	sbr.rel $0x88, $3  }
0x1: {  	(tag) =	ssettag $0x0;
	lr =	simm.s32 $0x1  }
0x2: {  	[smem:$0x3FA0] =	sst lr;
	_ =	strace $0xD0000000  }
0x3: {  	_ = 	snop  }
0x4: {  	_ = 	snop  }
0x5: {  	_ = 	snop  }
0x6: {  	_ = 	snop  }
0x7: {  	_ = 	snop  }
__scs_overlays_trampoline_lowered:
0x8: {  	[smem:$0x3FAF] =	sst s0  }
0x9: {  	[smem:$0x3FB0] =	sst s1  }
0xa: {  	[smem:$0x3FB1] =	sst s2  }
0xb: {  	[smem:$0x3FB2] =	sst s3  }
0xc: {  	[smem:$0x3FB3] =	sst s4  }
0xd: {  	[smem:$0x3FB4] =	sst s5  }
0xe: {  	[smem:$0x3FB5] =	sst s6  }
0xf: {  	[smem:$0x3FB6] =	sst s7  }
0x10: {  	[smem:$0x3FB7] =	sst s8  }
0x11: {  	[smem:$0x3FB8] =	sst s9;
	s0 =	simm.s32 @!p0 $0x0  }
0x12: {  	s1 =	sld [smem:$0x3F9E];
	s0 =	simm.s32 @p0 $0x1  }
0x13: {  	[smem:$0x3FB9] =	sst s0;
	s0 =	simm.s32 @!p1 $0x0  }
0x14: {  	s2 =	sld [smem:$0x3F9D];
	s0 =	simm.s32 @p1 $0x1  }
0x15: {  	[smem:$0x3FBA] =	sst s0;
	s0 =	simm.s32 @!p2 $0x0  }
0x16: {  	s3 =	sld [smem:$0x3FDB];
	s0 =	simm.s32 @p2 $0x1  }
0x17: {  	s4 =	simm.s32 $0x1BF5;
	[smem:$0x3FBC] =	sst s0  }
0x18: {  	s0 =	sld [smem:$0x3F9F];
	_ =	swait.ge [sflag:s4], $0x0  }
0x19: {  	s7 =	sld [smem:$0x3FA0]  }
0x1a: {  	s8 =	sadd.s32 $0xFFFFE003, lr  }
0x1b: {  	s9 =	sadd.s32 $0xFFFFFEF7, lr;
	s5 =	simm.s32 $0xFFFFFFFF;
	p2 =	slt.u32 s8, $0xFFFFF086  }
0x1c: {  	p1 =	slt.u32 s9, $0xF7A;
	s5 =	simm.s32 @!p2 $0x0  }
0x1d: {  	s5 =	simm.s32 @p1 $0x1;
	p0 =	seq.s32 s7, s2  }
0x1e: {  	s7 =	smul.u32 @!p0 $0xF7A, s2;
	p2 =	seq.s32 @!p0 s5, $0x0  }
0x1f: {  	s9 =	smul.u32 $0xF7A, s1;
	s8 =	simm.s32 @!p0 $0x1BF5;
	p2 =	por !p2, p0  }
0x20: {  	[sflag:s8] =	ssyncset.s32 @!p0 $0xFFFFF086;
	s6 =	sadd.s32 @!p0 s3, s7;
	s7 =	simm.s32 @!p0 $0x108  }
0x21: {  	s3 =	sadd.s32 s3, s9;
	s6 =	sadd.s32 @!p0 $0x88, s6;
	s7 =	simm.s32 @p2 $0x1082  }
0x22: {  	[simem:s7], [sflag:s8] =	dma.local @!p0 [hbm:s6], $0xF7A  }
0x23: {  	s9 =	sor.u32 $0xD0000000, s2;
	s6 =	simm.s32 $0x108;
	_ =	swait.ge @!p0 [sflag:s8], $0x0  }
0x24: {  	s3 =	sadd.s32 $0x88, s3;
	s6 =	simm.s32 @!p1 $0x1082;
	[sflag:s4] =	ssyncset.s32 $0xFFFFF086  }
0x25: {  	[simem:s6], [sflag:s4] =	dma.local [hbm:s3], $0xF7A  }
0x26: {  	[smem:$0x3FA0] =	sst s1;
	(tag) =	ssettag s2;
	_ =	strace s9  }
0x27: {  	s1 =	sld [smem:$0x3FB0]  }
0x28: {  	s2 =	sld [smem:$0x3FB1]  }
0x29: {  	s4 =	sld [smem:$0x3FB3]  }
0x2a: {  	p0 =	seq.s32 s5, $0x0;
	s5 =	sld [smem:$0x3FB4]  }
0x2b: {  	s6 =	sld [smem:$0x3FB5]  }
0x2c: {  	s7 =	sld [smem:$0x3FB6]  }
0x2d: {  	s3 =	simm.s32 $0x108;
	s8 =	sld [smem:$0x3FB7]  }
0x2e: {  	s3 =	simm.s32 @!p0 $0x1082;
	s9 =	sld [smem:$0x3FB8]  }
0x2f: {  	lr =	sadd.s32 s0, s3;
	s0 =	sld [smem:$0x3FAF]  }
0x30: {  	s3 =	sld [smem:$0x3FB2]  }
0x31: {  	[smem:$0x3FBB] =	sst s10  }
0x32: {  	s10 =	sld [smem:$0x3FB9];
	_ =	sdelay $0x3  }
0x33: {  	p0 =	seq.s32 s10, $0x1;
	s10 =	sld [smem:$0x3FBB];
	_ =	sdelay $0x3  }
0x34: {  	[smem:$0x3FBB] =	sst s10  }
0x35: {  	s10 =	sld [smem:$0x3FBA];
	_ =	sdelay $0x3  }
0x36: {  	p1 =	seq.s32 s10, $0x1;
	s10 =	sld [smem:$0x3FBB];
	_ =	sdelay $0x3  }
0x37: {  	[smem:$0x3FBB] =	sst s10  }
0x38: {  	s10 =	sld [smem:$0x3FBC]  }
0x39: {  	_ = 	snop;
	(pc) =	sbr.ind lr, $3  }
0x3a: {  	_ = 	snop  }
0x3b: {  	_ = 	snop  }
0x3c: {  	p2 =	seq.s32 s10, $0x1;
	s10 =	sld [smem:$0x3FBB]  }
0x3d: {  	_ =	shalt  }
0x3e: {  	_ =	shalt  }
0x3f: {  	_ =	shalt  }
0x40: {  	_ =	shalt  }
0x41: {  	_ =	shalt  }
0x42: {  	_ =	shalt  }
0x43: {  	_ =	shalt  }
0x44: {  	_ =	shalt  }
0x45: {  	_ =	shalt  }
0x46: {  	_ =	shalt  }
0x47: {  	_ =	shalt  }
0x48: {  	_ =	shalt  }
0x49: {  	_ =	shalt  }
0x4a: {  	_ =	shalt  }
0x4b: {  	_ =	shalt  }
0x4c: {  	_ =	shalt  }
0x4d: {  	_ =	shalt  }
0x4e: {  	_ =	shalt  }
0x4f: {  	_ =	shalt  }
0x50: {  	_ =	shalt  }
0x51: {  	_ =	shalt  }
0x52: {  	_ =	shalt  }
0x53: {  	_ =	shalt  }
0x54: {  	_ =	shalt  }
0x55: {  	_ =	shalt  }
0x56: {  	_ =	shalt  }
0x57: {  	_ =	shalt  }
0x58: {  	_ =	shalt  }
0x59: {  	_ =	shalt  }
0x5a: {  	_ =	shalt  }
0x5b: {  	_ =	shalt  }
0x5c: {  	_ =	shalt  }
0x5d: {  	_ =	shalt  }
0x5e: {  	_ =	shalt  }
0x5f: {  	_ =	shalt  }
0x60: {  	_ =	shalt  }
0x61: {  	_ =	shalt  }
0x62: {  	_ =	shalt  }
0x63: {  	_ =	shalt  }
0x64: {  	_ =	shalt  }
0x65: {  	_ =	shalt  }
0x66: {  	_ =	shalt  }
0x67: {  	_ =	shalt  }
0x68: {  	_ =	shalt  }
0x69: {  	_ =	shalt  }
0x6a: {  	_ =	shalt  }
0x6b: {  	_ =	shalt  }
0x6c: {  	_ =	shalt  }
0x6d: {  	_ =	shalt  }
0x6e: {  	_ =	shalt  }
0x6f: {  	_ =	shalt  }
0x70: {  	_ =	shalt  }
0x71: {  	_ =	shalt  }
0x72: {  	_ =	shalt  }
0x73: {  	_ =	shalt  }
0x74: {  	_ =	shalt  }
0x75: {  	_ =	shalt  }
0x76: {  	_ =	shalt  }
0x77: {  	_ =	shalt  }
0x78: {  	_ =	shalt  }
0x79: {  	_ =	shalt  }
0x7a: {  	_ =	shalt  }
0x7b: {  	_ =	shalt  }
0x7c: {  	_ =	shalt  }
0x7d: {  	_ =	shalt  }
0x7e: {  	_ =	shalt  }
0x7f: {  	_ =	shalt  }
0x80: {  	_ =	shalt  }
0x81: {  	_ =	shalt  }
0x82: {  	_ =	shalt  }
0x83: {  	_ =	shalt  }
0x84: {  	_ =	shalt  }
0x85: {  	_ =	shalt  }
0x86: {  	_ =	shalt  }
0x87: {  	_ =	shalt  }
.Lfunc_end0:
.L_simem_size_0:
called_computation_lowered:
.L_overlay_start_0:
0x88: {  	s2 =	sld [smem:$0x3FD9]  }
0x89: {  	s3 =	sld [smem:$0x3FFE];
	_ =	sdelay $0x1  }
0x8a: {  	s1 =	srdreg.scid  }
0x8b: {  	s0 =	sand.u32 $0x1, s1  }
0x8c: {  	s18 =	sshll.u32 s0, $0xA;
	s2 =	sadd.s32 s3, s2  }
0x8d: {  	s2 =	sadd.s32 s2, s18  }
0x8e: {  	[smem:$0x3FC7] =	sst s2  }
0x8f: {  	_ = 	snop  }
0x90: {  	s2 =	sld [smem:$0x3FC9]  }
0x91: {  	s19 =	sld [smem:$0x3FD0];
	(tm) =	ssettm $0x1  }
0x92: {  	s4 =	sld [smem:$0x3FFB];
	_ =	sdelay $0x3  }
0x93: {  	_ =	strace s4  }
0x94: {  	s4 =	sld [smem:$0x3FFC];
	_ =	sdelay $0x3  }
0x95: {  	_ =	strace s4  }
0x96: {  	s4 =	sld [smem:$0x3FFD];
	_ =	sdelay $0x3  }
0x97: {  	_ =	strace s4  }
0x98: {  	_ =	strace $0x8FFFFFFF  }
0x99: {  	s20 =	sld [smem:$0x3FDB];
	_ =	sdelay $0x1  }
0x9a: {  	s5 =	simm.s32 $_scs_section_size  }
0x9b: {  	s6 =	simm.s32 $_size__tile_overlayer_lowered;
	s7 =	simm.s32 $_tile_overlayer_lowered  }
0x9c: {  	s23 =	simm.s32 $0x1BFF;
	s22 =	sshll.u32 s7, $0x1;
	s4 =	sadd.s32 s5, s20  }
0x9d: {  	s8 =	simm.s32 $0x0;
	s21 =	sshll.u32 s6, $0x1;
	s6 =	sadd.s32 s22, s4  }
0x9e: {  	[timem:s8], [sflag:s23] =	dma.local [hbm:s6], s21  }
0x9f: {  	_ =	swait.ge [sflag:s23], s21  }
0xa0: {  	s5 =	ssub.s32 $0x0, s21;
	[sflag:s23] =	ssyncset.done $0x0  }
0xa1: {  	[sflag:s23] =	ssyncadd.s32 s5;
	_ =	sdelay $0x1  }
0xa2: {  	s24 =	simm.s32 $0x1B8B  }
0xa3: {  	_ =	swait.ge [sflag:s24], $0x1  }
0xa4: {  	[sflag:s24] =	ssyncset.done $0x0  }
0xa5: {  	s25 =	simm.s32 $0x1B8E;
	[sflag:s24] =	ssyncadd.s32 $0xFFFFFFFF  }
0xa6: {  	s26 =	simm.s32 $execute0_lowered;
	[smem:$0x3FD2] =	sst s25  }
0xa7: {  	s5 =	sshll.u32 s26, $0x1;
	_ =	strace $0x80000046;
	[dreg:$0x1] =	wrdreg $0xFFFFFFFF  }
0xa8: {  	s28 =	simm.s32 $_size_execute0_lowered;
	s4 =	sadd.s32 s4, s5;
	[dreg:$0x0] =	wrdreg $0x0  }
0xa9: {  	s5 =	sshll.u32 s28, $0x1;
	[dreg:$0x2] =	wrdreg s4  }
0xaa: {  	[dreg:$0x3] =	wrdreg s5  }
0xab: {  	[dreg:$0x4] =	wrdreg $0xC0  }
0xac: {  	_ =	task [dreg:s8], $0x5FFFF  }
0xad: {  	[dreg:$0x1] =	wrdreg $0xFFFFFFFF  }
0xae: {  	[dreg:$0x0] =	wrdreg $0x60  }
0xaf: {  	[dreg:$0x2] =	wrdreg s2  }
0xb0: {  	[dreg:$0x3] =	wrdreg s19  }
0xb1: {  	[dreg:$0x4] =	wrdreg $0x9  }
0xb2: {  	_ =	task.clear_ibuf [dreg:s8], $0x5FFFF;
	_ =	strace $0x90000046  }
0xb3: {  	s29 =	simm.s32 $0x9;
	_ =	strace $0x80000048  }
0xb4: {  	_ =	swait.ge [sflag:s29], $0x1  }
0xb5: {  	[sflag:s29] =	ssyncadd.s32 $0xFFFFFFFF  }
0xb6: {  	_ =	strace $0x90000048  }
0xb7: {  	_ =	sfence  }
0xb8: {  	s30 =	sld [smem:$0x0];
	_ =	sdelay $0x2  }
0xb9: {  	s31 =	sshll.u32 s1, $0xD;
	s1 =	sshrl.u32 s1, $0x2  }
0xba: {  	s3 =	sand.u32 $0x4000, s31;
	s1 =	sadd.s32 s1, s30  }
0xbb: {  	s0 =	sor.u32 s3, s0;
	s1 =	sshll.u32 s1, $0x11  }
0xbc: {  	s0 =	sor.u32 s1, s0  }
0xbd: {  	s0 =	sadd.s32 $0x8F2B, s0  }
0xbe: {  	[sflag:s0] =	ssyncadd.remote.s32 $0x1  }
0xbf: {  	_ =	sfence.sel $0xFFFF  }
0xc0: {  	[dreg:$0x0] =	wrdreg $0xFFFFFFFF;
	(pc) =	sbr.abs _section_cstart, $3  }
0xc1: {  	[dreg:$0x1] =	wrdreg $0xFFFFFFFF  }
0xc2: {  	_ =	task.clear_ibuf [dreg:s8], $0x2FFFF;
	_ =	strace $0x9FFFFFFF  }
0xc3: {  	(tm) =	ssettm $0x7FFFFFFF  }
tec
execute0_lowered:
.L_overlay_start_1:
0x0: {  	(tag) =	ssettag $0x1  }
0x1: {  	s1 =	rddreg [dreg:$0x0];
	v0 =	vimm.s32 $0xFEDCBA98  }
0x2: {  	s2 =	rddreg [dreg:$0x1];
	s3 =	simm.s32 $0x0;
	v1 =	vimm.f32 $6.283185480e+00;
	v2 =	vimm.s32 $0x76543210;
	v3 =	vimm.s32 $0x32107654  }
0x3: {  	v4 =	vimm.s32 $0xDCFE98BA;
	v5 =	vimm.s32 $0x54761032;
	[smem:$0x7FF] =	sst s3  }
0x4: {  	s0 =	srdreg.scid;
	s4 =	stileid.u32;
	v6 =	vimm.s32 $0xEFCDAB89;
	v7 =	vimm.s32 $0x67452301;
	v0 =	vunpack.c.l.s4.s8 v0;
	_ =	strace $0x80000047  }
0x5: {  	s13 =	simm.s32 $0x12000;
	s14 =	simm.s32 $0x5;
	s15 =	simm.s32 $0x16000;
	(erf) = vrcp.f32 v1;
	v1 =	vunpack.c.l.s4.s8 v2;
	v2 =	vimm.s32 $0xBA98FEDC  }
0x6: {  	s16 =	simm.s32 $0x80;
	s17 =	simm.s32 $0x400;
	s20 =	simm.s32 $0x1800;
	v3 =	vunpack.c.l.s4.s8 v3;
	v4 =	vunpack.c.l.s4.s8 v4;
	v2 =	vunpack.c.l.s4.s8 v2  }
0x7: {  	s21 =	simm.s32 $0x1;
	s0 =	sand.u32 $0x1, s0;
	s4 =	sshll.u32 s4, $0x1;
	v5 =	vunpack.c.l.s4.s8 v5;
	v6 =	vunpack.c.l.s4.s8 v6;
	v7 =	vunpack.c.l.s4.s8 v7  }
0x8: {  	s22 =	simm.s32 $0x2000;
	s23 =	simm.s32 $0x6000;
	s4 =	sor.u32 s0, s4;
	v3 =	vunpack.c.0.s8.s32 v3;
	v4 =	vunpack.c.0.s8.s32 v4;
	v2 =	vunpack.c.0.s8.s32 v2  }
0x9: {  	s24 =	simm.s32 $0x2;
	s25 =	simm.s32 $0xA000;
	s5 =	sshll.u32 s4, $0xF;
	v5 =	vunpack.c.0.s8.s32 v5;
	v6 =	vunpack.c.0.s8.s32 v6;
	v7 =	vunpack.c.0.s8.s32 v7  }
0xa: {  	s26 =	simm.s32 $0xE000;
	s0 =	ssub.s32 $0x2, s0;
	v0 =	vunpack.c.0.s8.s32 v0;
	s8 =	sadd.s32 s1, s5;
	v2 =	vcombine.low v3, v2  }
.Ltmp0:
0xb: {  	s29 =	sadd.s32 $0x10, s8;
	[dreg:$0x3] =	wrdreg s8;
	v1 =	vunpack.c.0.s8.s32 v1;
	v3 =	vcombine.low v5, v4;
	v4 =	vcombine.low v7, v6;
	(pc) =	sbr.rel .LBB2_1-.Ltmp0, $4  }
0xc: {  	s6 =	sshrl.u32 s0, $0x1;
	s30 =	sadd.s32 $0x20, s8;
	v0 =	vand.u32 $0xF, v0;
	[dreg:$0x4] =	wrdreg s29  }
0xd: {  	s0 =	ssub.s32 s0, s6;
	s31 =	sadd.s32 $0x30, s8;
	[dreg:$0x5] =	wrdreg s30;
	v0 =	vcombine.low v0, v1  }
0xe: {  	s11 =	sadd.s32 $0x800, s2;
	s0 =	smax.u32 s0, $0x1;
	[dreg:$0x6] =	wrdreg s31;
	v5 =	vimm.f32 $0.0e+00;
	v6 =	vlaneseq.u32;
	v7 =	vimm.f32 $1.000000000e+00  }
0xf: {  	s7 =	sshll.u32 s4, $0x15;
	s6 =	simm.s32 $0x0;
	[dreg:$0x7] =	wrdreg s0;
	v1 =	vand.u32 $0xF, v2;
	v2 =	vand.u32 $0xF, v3;
	v3 =	vand.u32 $0xF, v4;
	v4 =	vpop (erf)  }
.LBB2_24:
0x10: {  	s0 =	simm.s32 $0x3  }
0x11: {  	_ =	swait.ge [sflag:s0], $0x4000  }
0x12: {  	[sflag:s0] =	ssyncset.done $0x0  }
0x13: {  	[sflag:s0] =	ssyncadd.s32 $0xFFFFC000  }
0x14: {  	_ =	swait.ge [sflag:s0], $0x4000  }
0x15: {  	[sflag:s0] =	ssyncset.done $0x0  }
0x16: {  	s4 =	simm.s32 $0x4;
	[sflag:s0] =	ssyncadd.s32 $0xFFFFC000  }
0x17: {  	_ =	swait.ge [sflag:s4], $0x4000  }
0x18: {  	[sflag:s4] =	ssyncset.done $0x0  }
0x19: {  	[sflag:s4] =	ssyncadd.s32 $0xFFFFC000  }
0x1a: {  	_ =	swait.ge [sflag:s4], $0x4000  }
0x1b: {  	s6 =	rddreg [dreg:$0x8]  }
0x1c: {  	s31 =	rddreg [dreg:$0x7];
	s6 =	sadd.s32 $0x1, s6  }
0x1d: {  	p0 =	sne.s32 s6, s31  }
.Ltmp1:
0x1e: {  	_ = 	snop;
	(pc) =	sbr.rel @!p0 .LBB2_25-.Ltmp1, $3  }
0x1f: {  	_ =	sdelay $0x1  }
0x20: {  	[sflag:s4] =	ssyncset.done $0x0  }
0x21: {  	[sflag:s4] =	ssyncadd.s32 $0xFFFFC000  }
.LBB2_1:
0x22: {  	[dreg:$0x8] =	wrdreg s6;
	s4 =	simm.s32 $0x0  }
.LBB2_2:
0x23: {  	s0 =	sshll.u32 s4, $0xB  }
0x24: {  	s6 =	simm.s32 $0x0;
	s0 =	sadd.s32 s1, s0  }
0x25: {  	[tilespmem:s13], [sflag:$0x5] =	stream.linear.gather [hbm4b:s0+s6], $0x4000, $0x38;
	[tilespmem:$0x18080] =	vst v63  }
0x26: {  	_ =	swait.ge [sflag:s14], $0x4000  }
0x27: {  	[sflag:s14] =	ssyncset.done $0x0  }
0x28: {  	s6 =	sand.u32 $0x3F80, s6;
	[sflag:s14] =	ssyncadd.s32 $0xFFFFC000  }
0x29: {  	s0 =	sadd.s32 $0x12000, s6;
	v10 =	vld [tilespmem:s6+$0x12000]  }
0x2a: {  	v12 =	vld [tilespmem:s0+$0x10]  }
0x2b: {  	v11 =	vld [tilespmem:s0+$0x20]  }
0x2c: {  	v8 =	vld [tilespmem:s0+$0x30]  }
0x2d: {  	v13 =	vimm.f32 $+Inf;
	v9 =	vld [tilespmem:s0+$0x40]  }
0x2e: {  	v13 =	vmin.f32 v13, v10;
	v10 =	vld [tilespmem:s0+$0x50]  }
0x2f: {  	s8 =	simm.s32 $0x80;
	s6 =	simm.s32 $0x0;
	v13 =	vmin.f32 v13, v12;
	v12 =	vld [tilespmem:s0+$0x60]  }
.LBB2_3:
0x30: {  	s9 =	sand.u32 $0x3F80, s8;
	s6 =	sadd.s32 $0x8, s6;
	v11 =	vmin.f32 v13, v11;
	v13 =	vld [tilespmem:s0+$0x70]  }
0x31: {  	s0 =	sadd.s32 $0x12000, s9;
	v14 =	vld [tilespmem:s9+$0x12000];
	p0 =	slt.u32 s6, $0x3F8;
	v8 =	vmin.f32 v11, v8  }
0x32: {  	v15 =	vld [tilespmem:s0+$0x10];
	v8 =	vmin.f32 v8, v9  }
.Ltmp2:
0x33: {  	v11 =	vld [tilespmem:s0+$0x20];
	v9 =	vmin.f32 v8, v10;
	(pc) =	sbr.rel @p0 .LBB2_3-.Ltmp2, $4  }
0x34: {  	v8 =	vld [tilespmem:s0+$0x30];
	v10 =	vmin.f32 v9, v12  }
0x35: {  	v9 =	vld [tilespmem:s0+$0x40];
	v10 =	vmin.f32 v10, v13  }
0x36: {  	v12 =	vmin.f32 v10, v14;
	v10 =	vld [tilespmem:s0+$0x50]  }
0x37: {  	s8 =	sadd.s32 $0x80, s8;
	v13 =	vmin.f32 v12, v15;
	v12 =	vld [tilespmem:s0+$0x60]  }
0x38: {  	v11 =	vmin.f32 v13, v11;
	v59 =	vld [tilespmem:s0+$0x70]  }
0x39: {  	v8 =	vmin.f32 v11, v8  }
0x3a: {  	v8 =	vmin.f32 v8, v9  }
0x3b: {  	v8 =	vmin.f32 v8, v10  }
0x3c: {  	v8 =	vmin.f32 v8, v12  }
0x3d: {  	v8 =	vmin.f32 v8, v59  }
0x3e: {  	[tilespmem:$0x16000] =	vst v8  }
0x3f: {  	v60 =	vld.idx.msk [tilespmem:v0+s15+$0x0], $0xffff;
	_ =	sdelay $0x4  }
0x40: {  	v8 =	vmin.f32 v8, v60  }
0x41: {  	[tilespmem:$0x16000] =	vst v8  }
0x42: {  	v61 =	vld.idx.msk [tilespmem:v1+s15+$0x0], $0xffff;
	_ =	sdelay $0x4  }
0x43: {  	v8 =	vmin.f32 v8, v61  }
0x44: {  	[tilespmem:$0x16000] =	vst v8  }
0x45: {  	v62 =	vld.idx.msk [tilespmem:v2+s15+$0x0], $0xffff;
	_ =	sdelay $0x4  }
0x46: {  	v8 =	vmin.f32 v8, v62  }
0x47: {  	[tilespmem:$0x16000] =	vst v8  }
0x48: {  	v63 =	vld.idx.msk [tilespmem:v3+s15+$0x0], $0xffff;
	_ =	sdelay $0x4  }
0x49: {  	v8 =	vmin.f32 v8, v63  }
0x4a: {  	(v2sf) =	vpush v8, $0x0;
	_ =	sdelay $0xe  }
0x4b: {  	p0 =	sgt.u32 s4, $0x1FE;
	s0 =	spop (v2sf)  }
0x4c: {  	p1 =	slt.f32 @!p0 s0, $0.0e+00;
	_ =	sdelay $0x1  }
0x4d: {  	p0 =	por p0, p1  }
.Ltmp3:
0x4e: {  	_ = 	snop;
	(pc) =	sbr.rel @!p0 .LBB2_2-.Ltmp3, $2  }
0x4f: {  	_ =	sdelay $0x2  }
0x50: {  	s4 =	sadd.s32 $0x1, s4  }
0x51: {  	s4 =	rddreg [dreg:$0x3]  }
0x52: {  	[tilespmem:s3], [sflag:$0x1] =	stream.strided.gather [hbm4b:s4+s16], $0x800, s17, s16, $0x38;
	[tilespmem:$0x18080] =	vst v63  }
0x53: {  	s28 =	rddreg [dreg:$0x4];
	s6 =	simm.s32 $0x800  }
0x54: {  	[tilespmem:s6], [sflag:$0x1] =	stream.strided.gather [hbm4b:s28+s16], $0x800, s17, s16, $0x38;
	[tilespmem:$0x18080] =	vst v63  }
0x55: {  	s29 =	rddreg [dreg:$0x5];
	s30 =	simm.s32 $0x1000  }
0x56: {  	[tilespmem:s30], [sflag:$0x2] =	stream.strided.gather [hbm4b:s29+s16], $0x800, s17, s16, $0x38;
	[tilespmem:$0x18080] =	vst v63  }
0x57: {  	s31 =	rddreg [dreg:$0x6];
	s4 =	simm.s32 $0x2040  }
0x58: {  	[tilespmem:s20], [sflag:$0x2] =	stream.strided.gather [hbm4b:s31+s16], $0x800, s17, s16, $0x38;
	[tilespmem:$0x18080] =	vst v63  }
0x59: {  	[tilespmem:s4+$0xFFFFFFC0] =	vst v5  }
0x5a: {  	[tilespmem:s4+$0x30] =	vst v5  }
0x5b: {  	[tilespmem:s4+$0x20] =	vst v5  }
0x5c: {  	[tilespmem:s4+$0x10] =	vst v5  }
0x5d: {  	[tilespmem:s4+$0x0] =	vst v5  }
0x5e: {  	[tilespmem:s4+$0xFFFFFFF0] =	vst v5  }
0x5f: {  	s8 =	simm.s32 $0x0;
	[tilespmem:s4+$0xFFFFFFE0] =	vst v5  }
.LBB2_6:
0x60: {  	s8 =	sadd.s32 $0x8, s8;
	[tilespmem:s4+$0xFFFFFFD0] =	vst v5;
	s4 =	sadd.s32 $0x80, s4;
	s6 =	simm.s32 $0xA040  }
0x61: {  	[tilespmem:s4+$0xFFFFFFC0] =	vst v5;
	p0 =	slt.u32 s8, $0x7F8  }
0x62: {  	[tilespmem:s4+$0x30] =	vst v5  }
.Ltmp4:
0x63: {  	[tilespmem:s4+$0x20] =	vst v5;
	(pc) =	sbr.rel @p0 .LBB2_6-.Ltmp4, $4  }
0x64: {  	[tilespmem:s4+$0x10] =	vst v5  }
0x65: {  	[tilespmem:s4+$0x0] =	vst v5  }
0x66: {  	[tilespmem:s4+$0xFFFFFFF0] =	vst v5  }
0x67: {  	[tilespmem:s4+$0xFFFFFFE0] =	vst v5  }
0x68: {  	[tilespmem:s4+$0xFFFFFFD0] =	vst v5  }
0x69: {  	[tilespmem:s6+$0xFFFFFFC0] =	vst v5  }
0x6a: {  	[tilespmem:s6+$0x30] =	vst v5  }
0x6b: {  	[tilespmem:s6+$0x20] =	vst v5  }
0x6c: {  	[tilespmem:s6+$0x10] =	vst v5  }
0x6d: {  	[tilespmem:s6+$0x0] =	vst v5  }
0x6e: {  	[tilespmem:s6+$0xFFFFFFF0] =	vst v5  }
0x6f: {  	s8 =	simm.s32 $0x0;
	s4 =	simm.s32 $0x160C0;
	[tilespmem:s6+$0xFFFFFFE0] =	vst v5  }
.LBB2_8:
0x70: {  	s8 =	sadd.s32 $0x8, s8;
	[tilespmem:s6+$0xFFFFFFD0] =	vst v5;
	s6 =	sadd.s32 $0x80, s6  }
0x71: {  	[tilespmem:s6+$0xFFFFFFC0] =	vst v5;
	p0 =	slt.u32 s8, $0x7F8  }
0x72: {  	[tilespmem:s6+$0x30] =	vst v5  }
.Ltmp5:
0x73: {  	[tilespmem:s6+$0x20] =	vst v5;
	(pc) =	sbr.rel @p0 .LBB2_8-.Ltmp5, $4  }
0x74: {  	[tilespmem:s6+$0x10] =	vst v5  }
0x75: {  	[tilespmem:s6+$0x0] =	vst v5  }
0x76: {  	[tilespmem:s6+$0xFFFFFFF0] =	vst v5  }
0x77: {  	[tilespmem:s6+$0xFFFFFFE0] =	vst v5  }
0x78: {  	[tilespmem:s6+$0xFFFFFFD0] =	vst v5  }
0x79: {  	[tilespmem:s4+$0xFFFFFFC0] =	vst v6  }
0x7a: {  	[tilespmem:s4+$0x30] =	vst v6  }
0x7b: {  	[tilespmem:s4+$0x20] =	vst v6  }
0x7c: {  	[tilespmem:s4+$0x10] =	vst v6  }
0x7d: {  	[tilespmem:s4+$0x0] =	vst v6  }
0x7e: {  	[tilespmem:s4+$0xFFFFFFF0] =	vst v6  }
0x7f: {  	s8 =	simm.s32 $0x0;
	[tilespmem:s4+$0xFFFFFFE0] =	vst v6  }
.LBB2_10:
0x80: {  	s8 =	sadd.s32 $0x8, s8;
	[tilespmem:s4+$0xFFFFFFD0] =	vst v6;
	s4 =	sadd.s32 $0x80, s4;
	s6 =	simm.s32 $0x170C0  }
0x81: {  	[tilespmem:s4+$0xFFFFFFC0] =	vst v6;
	p0 =	slt.u32 s8, $0xF8  }
0x82: {  	[tilespmem:s4+$0x30] =	vst v6  }
.Ltmp6:
0x83: {  	[tilespmem:s4+$0x20] =	vst v6;
	(pc) =	sbr.rel @p0 .LBB2_10-.Ltmp6, $4  }
0x84: {  	[tilespmem:s4+$0x10] =	vst v6  }
0x85: {  	[tilespmem:s4+$0x0] =	vst v6  }
0x86: {  	[tilespmem:s4+$0xFFFFFFF0] =	vst v6  }
0x87: {  	[tilespmem:s4+$0xFFFFFFE0] =	vst v6  }
0x88: {  	[tilespmem:s4+$0xFFFFFFD0] =	vst v6  }
0x89: {  	[tilespmem:s6+$0xFFFFFFC0] =	vst v6  }
0x8a: {  	[tilespmem:s6+$0x30] =	vst v6  }
0x8b: {  	[tilespmem:s6+$0x20] =	vst v6  }
0x8c: {  	[tilespmem:s6+$0x10] =	vst v6  }
0x8d: {  	[tilespmem:s6+$0x0] =	vst v6  }
0x8e: {  	[tilespmem:s6+$0xFFFFFFF0] =	vst v6  }
0x8f: {  	s4 =	simm.s32 $0x0;
	[tilespmem:s6+$0xFFFFFFE0] =	vst v6  }
.LBB2_12:
0x90: {  	s4 =	sadd.s32 $0x8, s4;
	[tilespmem:s6+$0xFFFFFFD0] =	vst v6;
	s6 =	sadd.s32 $0x80, s6  }
0x91: {  	[tilespmem:s6+$0xFFFFFFC0] =	vst v6;
	p0 =	slt.u32 s4, $0xF8  }
0x92: {  	[tilespmem:s6+$0x30] =	vst v6  }
.Ltmp7:
0x93: {  	[tilespmem:s6+$0x20] =	vst v6;
	(pc) =	sbr.rel @p0 .LBB2_12-.Ltmp7, $4  }
0x94: {  	[tilespmem:s6+$0x10] =	vst v6  }
0x95: {  	[tilespmem:s6+$0x0] =	vst v6  }
0x96: {  	[tilespmem:s6+$0xFFFFFFF0] =	vst v6  }
0x97: {  	[tilespmem:s6+$0xFFFFFFE0] =	vst v6  }
0x98: {  	p0 =	slt.f32 s0, $0.0e+00;
	_ =	sdelay $0x1  }
0x99: {  	[tilespmem:s6+$0xFFFFFFD0] =	vst v6;
	s31 =	simm.s32 $0x0;
	v8 =	vpsel !p0, $0x0, v7  }
.LBB2_14:
0x9a: {  	_ =	swait.ge [sflag:s21], $0x800  }
0x9b: {  	[sflag:s21] =	ssyncset.done $0x0  }
0x9c: {  	[sflag:s21] =	ssyncadd.s32 $0xFFFFF800  }
0x9d: {  	_ =	swait.ge [sflag:s21], $0x800  }
0x9e: {  	p0 =	seq.s32 s31, $0x0;
	[sflag:s21] =	ssyncset.done $0x0  }
0x9f: {  	s0 =	simm.s32 @!p0 $0x3;
	[sflag:s21] =	ssyncadd.s32 $0xFFFFF800  }
0xa0: {  	_ =	swait.ge @!p0 [sflag:s0], $0x4000  }
0xa1: {  	[sflag:s0] =	ssyncset.done @!p0 $0x0  }
0xa2: {  	[sflag:s0] =	ssyncadd.s32 @!p0 $0xFFFFC000  }
0xa3: {  	_ =	swait.ge @!p0 [sflag:s0], $0x4000  }
0xa4: {  	[sflag:s0] =	ssyncset.done @!p0 $0x0  }
0xa5: {  	s18 =	simm.s32 $0x160C0;
	[sflag:s0] =	ssyncadd.s32 @!p0 $0xFFFFC000  }
0xa6: {  	v9 =	vld [tilespmem:s18+$0x30]  }
0xa7: {  	v10 =	vld [tilespmem:s18+$0xFFFFFFD0]  }
0xa8: {  	v11 =	vld [tilespmem:s18+$0xFFFFFFE0]  }
0xa9: {  	v12 =	vld [tilespmem:s18+$0xFFFFFFF0]  }
0xaa: {  	v13 =	vld [tilespmem:s18+$0x0]  }
0xab: {  	v14 =	vld [tilespmem:s18+$0x10]  }
0xac: {  	v15 =	vld [tilespmem:s18+$0x20]  }
0xad: {  	s8 =	simm.s32 $0x0;
	s9 =	simm.s32 $0x16140;
	s0 =	sshll.u32 s31, $0x1;
	v16 =	vld [tilespmem:s18+$0xFFFFFFC0]  }
.LBB2_15:
0xae: {  	s8 =	sadd.s32 $0x8, s8;
	[tilespmem:v9+s22+$0x0] =	vst.idx.msk $0xffff, v5;
	v9 =	vld [tilespmem:s9+$0x30];
	s4 =	simm.s32 $0x70;
	s6 =	simm.s32 $0x40  }
0xaf: {  	p1 =	slt.u32 s8, $0xF8;
	[tilespmem:v10+s22+$0x0] =	vst.idx.msk $0xffff, v5;
	v10 =	vld [tilespmem:s9+$0xFFFFFFD0]  }
0xb0: {  	[tilespmem:v11+s22+$0x0] =	vst.idx.msk $0xffff, v5;
	v11 =	vld [tilespmem:s9+$0xFFFFFFE0]  }
.Ltmp8:
0xb1: {  	[tilespmem:v12+s22+$0x0] =	vst.idx.msk $0xffff, v5;
	v12 =	vld [tilespmem:s9+$0xFFFFFFF0];
	(pc) =	sbr.rel @p1 .LBB2_15-.Ltmp8, $4  }
0xb2: {  	[tilespmem:v13+s22+$0x0] =	vst.idx.msk $0xffff, v5;
	v13 =	vld [tilespmem:s9+$0x0]  }
0xb3: {  	[tilespmem:v14+s22+$0x0] =	vst.idx.msk $0xffff, v5;
	v14 =	vld [tilespmem:s9+$0x10]  }
0xb4: {  	[tilespmem:v15+s22+$0x0] =	vst.idx.msk $0xffff, v5;
	v15 =	vld [tilespmem:s9+$0x20]  }
0xb5: {  	[tilespmem:v16+s22+$0x0] =	vst.idx.msk $0xffff, v5;
	v16 =	vld [tilespmem:s9+$0xFFFFFFC0];
	s9 =	sadd.s32 $0x80, s9  }
0xb6: {  	_ =	sdelay $0x3  }
0xb7: {  	[tilespmem:v9+s22+$0x0] =	vst.idx.msk $0xffff, v5  }
0xb8: {  	[tilespmem:v10+s22+$0x0] =	vst.idx.msk $0xffff, v5  }
0xb9: {  	[tilespmem:v11+s22+$0x0] =	vst.idx.msk $0xffff, v5  }
0xba: {  	[tilespmem:v12+s22+$0x0] =	vst.idx.msk $0xffff, v5  }
0xbb: {  	[tilespmem:v13+s22+$0x0] =	vst.idx.msk $0xffff, v5  }
0xbc: {  	[tilespmem:v14+s22+$0x0] =	vst.idx.msk $0xffff, v5  }
0xbd: {  	[tilespmem:v15+s22+$0x0] =	vst.idx.msk $0xffff, v5  }
0xbe: {  	[tilespmem:v16+s22+$0x0] =	vst.idx.msk $0xffff, v5  }
0xbf: {  	v9 =	vld [tilespmem:s6+$0xFFFFFFC0]  }
0xc0: {  	v10 =	vld [tilespmem:s6+$0xFFFFFFD0]  }
0xc1: {  	v11 =	vld [tilespmem:s6+$0xFFFFFFE0]  }
0xc2: {  	v12 =	vld [tilespmem:s6+$0xFFFFFFF0]  }
0xc3: {  	v13 =	vld [tilespmem:s6+$0x0]  }
0xc4: {  	v14 =	vld [tilespmem:s6+$0x10]  }
0xc5: {  	v15 =	vld [tilespmem:s6+$0x20]  }
0xc6: {  	v17 =	vld [tilespmem:s6+$0x30];
	_ =	sdelay $0x1  }
0xc7: {  	v9 =	vadd.f32 v9, v8;
	v10 =	vadd.f32 v10, v8  }
0xc8: {  	v11 =	vadd.f32 v11, v8;
	v12 =	vadd.f32 v12, v8  }
0xc9: {  	v13 =	vadd.f32 v13, v8;
	v14 =	vadd.f32 v14, v8  }
0xca: {  	v15 =	vadd.f32 v15, v8;
	v17 =	vadd.f32 v17, v8  }
0xcb: {  	v16 =	vand.u32 $0x7FFFFFFF, v9;
	v19 =	vand.u32 $0x7FFFFFFF, v10;
	v21 =	vand.u32 $0x7FFFFFFF, v11  }
0xcc: {  	v22 =	vand.u32 $0x7FFFFFFF, v12;
	v23 =	vand.u32 $0x7FFFFFFF, v13;
	v25 =	vand.u32 $0x7FFFFFFF, v14  }
0xcd: {  	v26 =	vand.u32 $0x7FFFFFFF, v15;
	v29 =	vand.u32 $0x7FFFFFFF, v17;
	v18 =	vmul.f32 v16, v4  }
0xce: {  	v9 =	vand.u32 $0x80000000, v9;
	v20 =	vmul.f32 v19, v4;
	v24 =	vmul.f32 v21, v4  }
0xcf: {  	v10 =	vand.u32 $0x80000000, v10;
	v27 =	vmul.f32 v23, v4;
	v18 =	vfloor.f32 v18  }
0xd0: {  	v11 =	vand.u32 $0x80000000, v11;
	v28 =	vmul.f32 v25, v4;
	v18 =	vmul.f32 $6.283185480e+00, v18  }
0xd1: {  	v12 =	vand.u32 $0x80000000, v12;
	v30 =	vmul.f32 v26, v4;
	v31 =	vmul.f32 v29, v4  }
0xd2: {  	v20 =	vfloor.f32 v20;
	v24 =	vfloor.f32 v24;
	v16 =	vsub.f32 v16, v18  }
0xd3: {  	v13 =	vand.u32 $0x80000000, v13;
	v30 =	vfloor.f32 v30;
	v20 =	vmul.f32 $6.283185480e+00, v20  }
0xd4: {  	v24 =	vmul.f32 $6.283185480e+00, v24;
	v18 =	vmul.f32 v22, v4;
	vm0 =	veq.f32 v16, $6.283185480e+00  }
0xd5: {  	v19 =	vsub.f32 v19, v20;
	v20 =	vmul.f32 $6.283185480e+00, v30;
	v16 =	vsel vm0, $0x0, v16  }
0xd6: {  	v21 =	vsub.f32 v21, v24;
	v18 =	vfloor.f32 v18;
	v16 =	vand.u32 $0x7FFFFFFF, v16  }
0xd7: {  	v20 =	vsub.f32 v26, v20;
	vm8 =	veq.f32 v19, $6.283185480e+00;
	v9 =	vor.u32 v9, v16  }
0xd8: {  	v16 =	vfloor.f32 v27;
	v27 =	vfloor.f32 v28;
	v28 =	vadd.f32 $6.283185480e+00, v9  }
0xd9: {  	vm1 =	veq.f32 v21, $6.283185480e+00;
	v18 =	vmul.f32 $6.283185480e+00, v18;
	vm7 =	vlt.f32 v9, $0.0e+00  }
0xda: {  	v19 =	vsel vm8, $0x0, v19;
	v21 =	vsel vm1, $0x0, v21;
	v9 =	vsel vm7, v28, v9  }
0xdb: {  	v18 =	vsub.f32 v22, v18;
	v22 =	vfloor.f32 v31;
	v28 =	vmul.f32 $1.273239490e+00, v9  }
0xdc: {  	vm5 =	veq.f32 v20, $6.283185480e+00;
	v16 =	vmul.f32 $6.283185480e+00, v16;
	v27 =	vmul.f32 $6.283185480e+00, v27  }
0xdd: {  	v20 =	vsel vm5, $0x0, v20;
	v22 =	vmul.f32 $6.283185480e+00, v22;
	v24 =	vtrunc.f32 v28  }
0xde: {  	vm3 =	veq.f32 v18, $6.283185480e+00;
	v16 =	vsub.f32 v23, v16;
	v23 =	vcvt.f32.s32 v24  }
0xdf: {  	v20 =	vand.u32 $0x7FFFFFFF, v20;
	v22 =	vsub.f32 v29, v22;
	v18 =	vsel vm3, $0x0, v18  }
0xe0: {  	vm0 =	vlt.f32 v9, $6.283185480e+00;
	v18 =	vand.u32 $0x7FFFFFFF, v18;
	vm2 =	vlt.s32 v23, $0x7  }
0xe1: {  	vm4 =	veq.f32 v16, $6.283185480e+00;
	vm10 =	veq.f32 v22, $6.283185480e+00;
	v23 =	vnsel vm2, $0x7, v23  }
0xe2: {  	s10 =	simm.s32 $0x0;
	v12 =	vor.u32 v12, v18;
	v16 =	vsel vm4, $0x0, v16;
	v23 =	vshll.u32 v23, $0x7  }
0xe3: {  	v22 =	vsel vm10, $0x0, v22;
	v24 =	vsub.f32 v25, v27;
	v23 =	vadd.s32 s10, v23  }
0xe4: {  	vm13 =	vlt.f32 v12, $0.0e+00;
	v16 =	vand.u32 $0x7FFFFFFF, v16;
	v28 =	vadd.s32 v6, v23  }
0xe5: {  	v16 =	vor.u32 v13, v16;
	vm9 =	veq.f32 v24, $6.283185480e+00;
	v9 =	vand.u32 $0xFFFFFF80, v28  }
0xe6: {  	vm14 =	vlt.f32 v16, $0.0e+00;
	v23 =	vsel vm9, $0x0, v24;
	v29 =	vor.u32 v6, v9  }
0xe7: {  	v9 =	vand.u32 $0x7FFFFFFF, v19;
	v19 =	vand.u32 $0x7FFFFFFF, v21;
	v21 =	vand.u32 $0x7FFFFFFF, v23  }
0xe8: {  	v9 =	vor.u32 v10, v9;
	v10 =	vand.u32 $0x80000000, v14;
	v14 =	vand.u32 $0x80000000, v15  }
0xe9: {  	v11 =	vor.u32 v11, v19;
	v15 =	vand.u32 $0x7FFFFFFF, v22;
	v10 =	vor.u32 v10, v21  }
0xea: {  	v18 =	vor.u32 v14, v20;
	v13 =	vadd.f32 $6.283185480e+00, v9;
	v19 =	vadd.f32 $6.283185480e+00, v11  }
0xeb: {  	v14 =	vand.u32 $0x80000000, v17;
	v17 =	vadd.f32 $6.283185480e+00, v12;
	v20 =	vadd.f32 $6.283185480e+00, v16  }
0xec: {  	vm11 =	vlt.f32 v9, $0.0e+00;
	vm12 =	vlt.f32 v11, $0.0e+00;
	v21 =	vor.u32 v14, v15  }
0xed: {  	v22 =	vadd.f32 $6.283185480e+00, v10;
	v23 =	vadd.f32 $6.283185480e+00, v18;
	vm15 =	vlt.f32 v10, $0.0e+00  }
0xee: {  	vm7 =	vlt.f32 v18, $0.0e+00;
	v14 =	vsel vm11, v13, v9;
	v24 =	vadd.f32 $6.283185480e+00, v21  }
0xef: {  	v15 =	vsel vm12, v19, v11;
	v13 =	vsel vm13, v17, v12;
	v12 =	vsel vm14, v20, v16  }
0xf0: {  	vm8 =	vlt.f32 v21, $0.0e+00;
	v10 =	vsel vm15, v22, v10;
	v16 =	vmul.f32 $1.273239490e+00, v14  }
0xf1: {  	v9 =	vsel vm7, v23, v18;
	v17 =	vmul.f32 $1.273239490e+00, v15;
	v18 =	vmul.f32 $1.273239490e+00, v13  }
0xf2: {  	v22 =	vmul.f32 $1.273239490e+00, v12;
	v11 =	vsel vm8, v24, v21;
	v21 =	vmul.f32 $1.273239490e+00, v10  }
0xf3: {  	s12 =	simm.s32 $0x10;
	v25 =	vmul.f32 $1.273239490e+00, v9;
	v16 =	vtrunc.f32 v16  }
0xf4: {  	s8 =	simm.s32 $0x20;
	v19 =	vor.u32 s12, v6;
	v26 =	vmul.f32 $1.273239490e+00, v11;
	v17 =	vtrunc.f32 v17  }
0xf5: {  	s19 =	simm.s32 $0x30;
	v20 =	vor.u32 s8, v6;
	v18 =	vtrunc.f32 v18;
	v27 =	vtrunc.f32 v22  }
0xf6: {  	s29 =	simm.s32 $0x50;
	v23 =	vor.u32 s19, v6;
	v21 =	vtrunc.f32 v21;
	v16 =	vcvt.f32.s32 v16  }
0xf7: {  	s28 =	simm.s32 $0x40;
	v24 =	vor.u32 s29, v6;
	v30 =	vtrunc.f32 v25;
	v17 =	vcvt.f32.s32 v17  }
0xf8: {  	s30 =	simm.s32 $0x60;
	v22 =	vor.u32 s28, v6;
	v18 =	vcvt.f32.s32 v18;
	v27 =	vcvt.f32.s32 v27  }
0xf9: {  	v25 =	vor.u32 s30, v6;
	v21 =	vcvt.f32.s32 v21;
	v30 =	vcvt.f32.s32 v30  }
0xfa: {  	v26 =	vtrunc.f32 v26;
	vm9 =	vlt.s32 v16, $0x7;
	vm10 =	vlt.s32 v17, $0x7  }
0xfb: {  	vm11 =	vlt.s32 v18, $0x7;
	vm12 =	vlt.s32 v27, $0x7;
	v31 =	vcvt.f32.s32 v26  }
0xfc: {  	v16 =	vnsel vm9, $0x7, v16;
	v17 =	vnsel vm10, $0x7, v17;
	vm13 =	vlt.s32 v21, $0x7  }
0xfd: {  	v18 =	vnsel vm11, $0x7, v18;
	vm14 =	vlt.s32 v30, $0x7;
	v26 =	vnsel vm12, $0x7, v27  }
0xfe: {  	v21 =	vnsel vm13, $0x7, v21;
	v27 =	vnsel vm14, $0x7, v30;
	vm15 =	vlt.s32 v31, $0x7  }
0xff: {  	v16 =	vshll.u32 v16, $0x7;
	v17 =	vshll.u32 v17, $0x7;
	v18 =	vshll.u32 v18, $0x7  }
0x100: {  	v30 =	vshll.u32 v26, $0x7;
	v32 =	vshll.u32 v21, $0x7;
	v33 =	vshll.u32 v27, $0x7  }
0x101: {  	v27 =	vadd.s32 v19, v16;
	v26 =	vadd.s32 v20, v17;
	v31 =	vnsel vm15, $0x7, v31  }
0x102: {  	v21 =	vadd.s32 v23, v18;
	v18 =	vadd.s32 v22, v30;
	v17 =	vadd.s32 v24, v32  }
0x103: {  	v32 =	vand.u32 $0xFFFFFF80, v27;
	v16 =	vadd.s32 v25, v33;
	v35 =	vshll.u32 v31, $0x7  }
0x104: {  	[tilespmem:v29+s22+$0x0] =	vst.idx.msk vm0, v7;
	v34 =	vand.u32 $0xFFFFFF80, v26;
	v33 =	vand.u32 $0xFFFFFF80, v21;
	v31 =	vand.u32 $0xFFFFFF80, v18  }
0x105: {  	s9 =	simm.s32 $0xC0;
	s8 =	simm.s32 $0x0;
	[tilespmem:s18+$0xFFFFFFC0] =	vst v28;
	v30 =	vand.u32 $0xFFFFFF80, v17;
	v29 =	vand.u32 $0xFFFFFF80, v16;
	v28 =	vadd.s32 s4, v35  }
.LBB2_17:
0x106: {  	v35 =	vld [tilespmem:s9+$0xFFFFFFC0];
	v19 =	vand.u32 $0x1F, v19;
	v20 =	vand.u32 $0x2F, v20;
	v23 =	vand.u32 $0x3F, v23  }
0x107: {  	s8 =	sadd.s32 $0x8, s8;
	v22 =	vand.u32 $0x4F, v22;
	v24 =	vand.u32 $0x5F, v24;
	v25 =	vand.u32 $0x6F, v25;
	v36 =	vld [tilespmem:s9+$0xFFFFFFD0]  }
0x108: {  	p1 =	slt.u32 s8, $0xF8;
	v19 =	vor.u32 v19, v32;
	v20 =	vor.u32 v20, v34;
	v23 =	vor.u32 v23, v33;
	v37 =	vld [tilespmem:s9+$0xFFFFFFE0]  }
0x109: {  	v22 =	vor.u32 v22, v31;
	v24 =	vor.u32 v24, v30;
	v25 =	vor.u32 v25, v29;
	v32 =	vld [tilespmem:s9+$0xFFFFFFF0]  }
0x10a: {  	vm6 =	vlt.f32 v14, $6.283185480e+00;
	vm5 =	vlt.f32 v15, $6.283185480e+00;
	v15 =	vadd.s32 v6, v28;
	v29 =	vld [tilespmem:s9+$0x0]  }
0x10b: {  	vm4 =	vlt.f32 v13, $6.283185480e+00;
	vm3 =	vlt.f32 v12, $6.283185480e+00;
	v28 =	vadd.f32 v35, v8;
	v14 =	vld [tilespmem:s9+$0x10]  }
0x10c: {  	vm2 =	vlt.f32 v10, $6.283185480e+00;
	vm1 =	vlt.f32 v9, $6.283185480e+00;
	v12 =	vadd.f32 v36, v8;
	v30 =	vld [tilespmem:s9+$0x20]  }
0x10d: {  	vm0 =	vlt.f32 v11, $6.283185480e+00;
	v31 =	vand.u32 $0x7FFFFFFF, v28;
	v9 =	vadd.f32 v37, v8;
	v10 =	vld [tilespmem:s9+$0x30]  }
0x10e: {  	v33 =	vmul.f32 v31, v4;
	v34 =	vand.u32 $0x7FFFFFFF, v12;
	v11 =	vadd.f32 v32, v8  }
0x10f: {  	v32 =	vmul.f32 v34, v4;
	v35 =	vand.u32 $0x7FFFFFFF, v9;
	v13 =	vadd.f32 v29, v8  }
0x110: {  	v29 =	vfloor.f32 v33;
	v33 =	vand.u32 $0x7FFFFFFF, v11;
	v14 =	vadd.f32 v14, v8;
	[tilespmem:v19+s22+$0x0] =	vst.idx.msk vm6, v7  }
0x111: {  	v19 =	vmul.f32 $6.283185480e+00, v29;
	v29 =	vand.u32 $0x7FFFFFFF, v13;
	v30 =	vadd.f32 v30, v8;
	[tilespmem:s18+$0xFFFFFFD0] =	vst v27  }
0x112: {  	v27 =	vmul.f32 v35, v4;
	v36 =	vand.u32 $0x7FFFFFFF, v14;
	v10 =	vadd.f32 v10, v8;
	[tilespmem:v20+s22+$0x0] =	vst.idx.msk vm5, v7  }
0x113: {  	v20 =	vmul.f32 v33, v4;
	v19 =	vsub.f32 v31, v19;
	v31 =	vand.u32 $0x7FFFFFFF, v30;
	[tilespmem:s18+$0xFFFFFFE0] =	vst v26  }
0x114: {  	v26 =	vmul.f32 v29, v4;
	v37 =	vmul.f32 v36, v4;
	v38 =	vand.u32 $0x7FFFFFFF, v10;
	[tilespmem:v23+s22+$0x0] =	vst.idx.msk vm4, v7  }
0x115: {  	v23 =	vmul.f32 v31, v4;
	vm4 =	veq.f32 v19, $6.283185480e+00;
	v39 =	vmul.f32 v38, v4;
	[tilespmem:s18+$0xFFFFFFF0] =	vst v21  }
0x116: {  	v27 =	vfloor.f32 v27;
	v21 =	vfloor.f32 v32;
	v19 =	vsel vm4, $0x0, v19;
	[tilespmem:v22+s22+$0x0] =	vst.idx.msk vm3, v7  }
0x117: {  	v20 =	vfloor.f32 v20;
	v22 =	vand.u32 $0x80000000, v28;
	v19 =	vand.u32 $0x7FFFFFFF, v19;
	[tilespmem:s18+$0x0] =	vst v18  }
0x118: {  	v18 =	vor.u32 v22, v19;
	v19 =	vfloor.f32 v26;
	v22 =	vfloor.f32 v37;
	[tilespmem:v24+s22+$0x0] =	vst.idx.msk vm2, v7  }
0x119: {  	v21 =	vmul.f32 $6.283185480e+00, v21;
	v23 =	vfloor.f32 v23;
	v24 =	vadd.f32 $6.283185480e+00, v18;
	[tilespmem:s18+$0x10] =	vst v17  }
0x11a: {  	v20 =	vmul.f32 $6.283185480e+00, v20;
	vm2 =	vlt.f32 v18, $0.0e+00;
	v17 =	vmul.f32 $6.283185480e+00, v27;
	[tilespmem:v25+s22+$0x0] =	vst.idx.msk vm1, v7  }
0x11b: {  	v19 =	vmul.f32 $6.283185480e+00, v19;
	v22 =	vmul.f32 $6.283185480e+00, v22;
	v18 =	vsel vm2, v24, v18;
	[tilespmem:s18+$0x20] =	vst v16  }
0x11c: {  	v23 =	vmul.f32 $6.283185480e+00, v23;
	v21 =	vsub.f32 v34, v21;
	v16 =	vmul.f32 $1.273239490e+00, v18;
	[tilespmem:v15+s22+$0x0] =	vst.idx.msk vm0, v7  }
0x11d: {  	v20 =	vsub.f32 v33, v20;
	v17 =	vsub.f32 v35, v17;
	v24 =	vfloor.f32 v39;
	[tilespmem:s18+$0x30] =	vst v15  }
0x11e: {  	v15 =	vtrunc.f32 v16;
	v16 =	vsub.f32 v29, v19;
	v19 =	vmul.f32 $6.283185480e+00, v24  }
0x11f: {  	v23 =	vsub.f32 v31, v23;
	v22 =	vsub.f32 v36, v22;
	v15 =	vcvt.f32.s32 v15  }
0x120: {  	vm0 =	veq.f32 v21, $6.283185480e+00;
	vm1 =	veq.f32 v17, $6.283185480e+00;
	v19 =	vsub.f32 v38, v19  }
0x121: {  	vm3 =	veq.f32 v20, $6.283185480e+00;
	vm4 =	veq.f32 v16, $6.283185480e+00;
	vm2 =	vlt.s32 v15, $0x7  }
0x122: {  	s4 =	sadd.s32 $0x400, s4;
	vm5 =	veq.f32 v23, $6.283185480e+00;
	v15 =	vnsel vm2, $0x7, v15;
	vm2 =	veq.f32 v22, $6.283185480e+00  }
0x123: {  	s6 =	sadd.s32 $0xFFFFFF90, s4;
	s30 =	sadd.s32 $0xFFFFFFA0, s4;
	s29 =	sadd.s32 $0xFFFFFFB0, s4;
	v21 =	vsel vm0, $0x0, v21;
	v17 =	vsel vm1, $0x0, v17;
	v15 =	vshll.u32 v15, $0x7  }
0x124: {  	s28 =	sadd.s32 $0xFFFFFFC0, s4;
	s10 =	sadd.s32 $0xFFFFFFE0, s4;
	v20 =	vsel vm3, $0x0, v20;
	v16 =	vsel vm4, $0x0, v16;
	v15 =	vadd.s32 s6, v15;
	s6 =	sadd.s32 $0xFFFFFFD0, s4  }
0x125: {  	s12 =	sadd.s32 $0xFFFFFFF0, s4;
	v23 =	vsel vm5, $0x0, v23;
	v22 =	vsel vm2, $0x0, v22;
	v15 =	vadd.s32 v6, v15  }
0x126: {  	vm0 =	vlt.f32 v18, $6.283185480e+00;
	vm1 =	veq.f32 v19, $6.283185480e+00;
	v18 =	vand.u32 $0xFFFFFF80, v15  }
0x127: {  	v21 =	vand.u32 $0x7FFFFFFF, v21;
	v17 =	vand.u32 $0x7FFFFFFF, v17;
	v18 =	vor.u32 v6, v18  }
0x128: {  	v20 =	vand.u32 $0x7FFFFFFF, v20;
	v16 =	vand.u32 $0x7FFFFFFF, v16;
	v22 =	vand.u32 $0x7FFFFFFF, v22  }
0x129: {  	v12 =	vand.u32 $0x80000000, v12;
	v23 =	vand.u32 $0x7FFFFFFF, v23;
	v19 =	vsel vm1, $0x0, v19  }
0x12a: {  	v9 =	vand.u32 $0x80000000, v9;
	v11 =	vand.u32 $0x80000000, v11;
	v13 =	vand.u32 $0x80000000, v13  }
0x12b: {  	v14 =	vand.u32 $0x80000000, v14;
	v12 =	vor.u32 v12, v21;
	v21 =	vand.u32 $0x80000000, v30  }
0x12c: {  	v11 =	vor.u32 v11, v20;
	s18 =	sadd.s32 $0x80, s18;
	v9 =	vor.u32 v9, v17;
	v17 =	vand.u32 $0x7FFFFFFF, v19;
	[tilespmem:v18+s22+$0x0] =	vst.idx.msk vm0, v7  }
0x12d: {  	v16 =	vor.u32 v13, v16;
	v19 =	vor.u32 v21, v23;
	v18 =	vor.u32 v14, v22;
	[tilespmem:s18+$0xFFFFFFC0] =	vst v15  }
0x12e: {  	v10 =	vand.u32 $0x80000000, v10;
	v13 =	vadd.f32 $6.283185480e+00, v12;
	v15 =	vadd.f32 $6.283185480e+00, v9  }
0x12f: {  	v20 =	vadd.f32 $6.283185480e+00, v11;
	v21 =	vadd.f32 $6.283185480e+00, v16;
	v17 =	vor.u32 v10, v17  }
0x130: {  	vm0 =	vlt.f32 v12, $0.0e+00;
	v22 =	vadd.f32 $6.283185480e+00, v19;
	v10 =	vadd.f32 $6.283185480e+00, v18  }
0x131: {  	vm1 =	vlt.f32 v9, $0.0e+00;
	vm2 =	vlt.f32 v11, $0.0e+00;
	vm3 =	vlt.f32 v16, $0.0e+00  }
0x132: {  	vm5 =	vlt.f32 v19, $0.0e+00;
	v23 =	vadd.f32 $6.283185480e+00, v17;
	vm4 =	vlt.f32 v18, $0.0e+00  }
0x133: {  	v14 =	vsel vm0, v13, v12;
	v13 =	vsel vm2, v20, v11;
	v15 =	vsel vm1, v15, v9  }
0x134: {  	v12 =	vsel vm3, v21, v16;
	v10 =	vsel vm4, v10, v18;
	v9 =	vsel vm5, v22, v19  }
0x135: {  	vm0 =	vlt.f32 v17, $0.0e+00;
	v16 =	vmul.f32 $1.273239490e+00, v14;
	v18 =	vmul.f32 $1.273239490e+00, v15  }
0x136: {  	v21 =	vmul.f32 $1.273239490e+00, v13;
	v11 =	vsel vm0, v23, v17;
	v22 =	vmul.f32 $1.273239490e+00, v12  }
0x137: {  	v19 =	vor.u32 s30, v6;
	v17 =	vmul.f32 $1.273239490e+00, v10;
	v25 =	vmul.f32 $1.273239490e+00, v9  }
0x138: {  	v20 =	vor.u32 s29, v6;
	v26 =	vmul.f32 $1.273239490e+00, v11;
	v16 =	vtrunc.f32 v16  }
0x139: {  	v23 =	vor.u32 s28, v6;
	v21 =	vtrunc.f32 v21;
	v18 =	vtrunc.f32 v18  }
0x13a: {  	v27 =	vtrunc.f32 v22;
	v22 =	vor.u32 s6, v6;
	v17 =	vtrunc.f32 v17  }
0x13b: {  	v24 =	vor.u32 s10, v6;
	v16 =	vcvt.f32.s32 v16;
	v28 =	vtrunc.f32 v25  }
0x13c: {  	v21 =	vcvt.f32.s32 v21;
	v25 =	vor.u32 s12, v6;
	v18 =	vcvt.f32.s32 v18  }
0x13d: {  	v27 =	vcvt.f32.s32 v27;
	vm0 =	vlt.s32 v16, $0x7;
	v17 =	vcvt.f32.s32 v17  }
0x13e: {  	v26 =	vtrunc.f32 v26;
	v28 =	vcvt.f32.s32 v28;
	vm1 =	vlt.s32 v18, $0x7  }
0x13f: {  	v29 =	vcvt.f32.s32 v26;
	vm2 =	vlt.s32 v21, $0x7;
	vm3 =	vlt.s32 v27, $0x7  }
0x140: {  	v16 =	vnsel vm0, $0x7, v16;
	vm0 =	vlt.s32 v17, $0x7;
	vm4 =	vlt.s32 v28, $0x7  }
0x141: {  	v21 =	vnsel vm2, $0x7, v21;
	v26 =	vnsel vm3, $0x7, v27;
	v18 =	vnsel vm1, $0x7, v18  }
0x142: {  	v17 =	vnsel vm0, $0x7, v17;
	v27 =	vnsel vm4, $0x7, v28;
	vm0 =	vlt.s32 v29, $0x7  }
0x143: {  	v16 =	vshll.u32 v16, $0x7;
	v21 =	vshll.u32 v21, $0x7;
	v18 =	vshll.u32 v18, $0x7  }
0x144: {  	v28 =	vshll.u32 v26, $0x7;
	v17 =	vshll.u32 v17, $0x7;
	v30 =	vshll.u32 v27, $0x7  }
.Ltmp9:
0x145: {  	v27 =	vadd.s32 v19, v16;
	v29 =	vnsel vm0, $0x7, v29;
	v26 =	vadd.s32 v20, v18;
	(pc) =	sbr.rel @p1 .LBB2_17-.Ltmp9, $4  }
0x146: {  	v21 =	vadd.s32 v23, v21;
	v18 =	vadd.s32 v22, v28;
	v17 =	vadd.s32 v24, v17  }
0x147: {  	v32 =	vand.u32 $0xFFFFFF80, v27;
	v16 =	vadd.s32 v25, v30;
	v28 =	vshll.u32 v29, $0x7  }
0x148: {  	v33 =	vand.u32 $0xFFFFFF80, v21;
	v34 =	vand.u32 $0xFFFFFF80, v26;
	v31 =	vand.u32 $0xFFFFFF80, v18  }
0x149: {  	s9 =	sadd.s32 $0x80, s9;
	v30 =	vand.u32 $0xFFFFFF80, v17;
	v29 =	vand.u32 $0xFFFFFF80, v16;
	v28 =	vadd.s32 s4, v28  }
0x14a: {  	v19 =	vand.u32 $0x1F, v19;
	vm0 =	vlt.f32 v14, $6.283185480e+00  }
0x14b: {  	vm15 =	vlt.f32 v11, $6.283185480e+00;
	v14 =	vor.u32 v19, v32  }
0x14c: {  	v11 =	vadd.s32 v6, v28  }
0x14d: {  	vm1 =	vlt.f32 v15, $6.283185480e+00;
	v19 =	vand.u32 $0x2F, v20  }
0x14e: {  	v15 =	vor.u32 v19, v34;
	_ =	sdelay $0x1  }
0x14f: {  	vm2 =	vlt.f32 v13, $6.283185480e+00;
	v19 =	vand.u32 $0x3F, v23;
	[tilespmem:v14+s22+$0x0] =	vst.idx.msk vm0, v7  }
0x150: {  	v13 =	vor.u32 v19, v33;
	[tilespmem:v11+s22+$0x0] =	vst.idx.msk vm15, v7  }
0x151: {  	vm3 =	vlt.f32 v12, $6.283185480e+00;
	v19 =	vand.u32 $0x4F, v22;
	[tilespmem:s18+$0xFFFFFFD0] =	vst v27  }
0x152: {  	v12 =	vor.u32 v19, v31;
	[tilespmem:v15+s22+$0x0] =	vst.idx.msk vm1, v7  }
0x153: {  	vm13 =	vlt.f32 v10, $6.283185480e+00;
	v14 =	vand.u32 $0x5F, v24;
	[tilespmem:s18+$0x30] =	vst v11  }
0x154: {  	v10 =	vor.u32 v14, v30;
	[tilespmem:s18+$0xFFFFFFE0] =	vst v26  }
0x155: {  	vm14 =	vlt.f32 v9, $6.283185480e+00;
	v14 =	vand.u32 $0x6F, v25;
	[tilespmem:v13+s22+$0x0] =	vst.idx.msk vm2, v7  }
0x156: {  	v9 =	vor.u32 v14, v29;
	[tilespmem:s18+$0xFFFFFFF0] =	vst v21  }
0x157: {  	[tilespmem:v12+s22+$0x0] =	vst.idx.msk vm3, v7  }
0x158: {  	[tilespmem:s18+$0x0] =	vst v18  }
0x159: {  	s4 =	sshll.u32 s31, $0x10;
	[tilespmem:v10+s22+$0x0] =	vst.idx.msk vm13, v7  }
0x15a: {  	s4 =	sor.u32 s7, s4;
	[tilespmem:s18+$0x10] =	vst v17  }
0x15b: {  	s4 =	sshrl.u32 s4, $0x3;
	[tilespmem:v9+s22+$0x0] =	vst.idx.msk vm14, v7  }
0x15c: {  	p1 =	seq.s32 s31, $0x1F;
	s6 =	sadd.s32 s2, s4;
	[tilespmem:s18+$0x20] =	vst v16  }
0x15d: {  	[hbm4b:s6+s3] =	stream.linear.scatter [tilespmem:s22], [sflag:$0x3], $0x4000, $0x38;
	[tilespmem:$0x18080] =	vst v63  }
0x15e: {  	s6 =	sadd.s32 @!p1 $0x2, s0  }
0x15f: {  	s30 =	sadd.s32 s4, s11;
	s8 =	sshll.u32 @!p1 s6, $0x9;
	s6 =	sshll.u32 @!p1 s6, $0x5  }
0x160: {  	[hbm4b:s30+s3] =	stream.linear.scatter [tilespmem:s23], [sflag:$0x3], $0x4000, $0x38;
	[tilespmem:$0x18080] =	vst v63  }
0x161: {  	s8 =	sadd.s32 @!p1 s5, s8;
	s6 =	sand.u32 @!p1 $0x40, s6  }
0x162: {  	s9 =	simm.s32 @!p1 $0x400;
	s8 =	sand.u32 @!p1 $0x1FF800, s8;
	s6 =	sadd.s32 @!p1 s1, s6  }
0x163: {  	s10 =	simm.s32 @!p1 $0x0;
	s6 =	sadd.s32 @!p1 s8, s6;
	s8 =	simm.s32 @!p1 $0x80  }
0x164: {  	[tilespmem:s10], [sflag:$0x1] =	stream.strided.gather @!p1 [hbm4b:s6+s8], $0x800, s9, s8, $0x38;
	[tilespmem:$0x18080] =	vst v63  }
0x165: {  	s6 =	sadd.s32 @!p1 $0x10, s6;
	s10 =	simm.s32 @!p1 $0x800  }
0x166: {  	[tilespmem:s10], [sflag:$0x1] =	stream.strided.gather @!p1 [hbm4b:s6+s8], $0x800, s9, s8, $0x38;
	[tilespmem:$0x18080] =	vst v63  }
0x167: {  	_ =	swait.ge [sflag:s24], $0x800  }
0x168: {  	[sflag:s24] =	ssyncset.done $0x0  }
0x169: {  	[sflag:s24] =	ssyncadd.s32 $0xFFFFF800  }
0x16a: {  	_ =	swait.ge [sflag:s24], $0x800  }
0x16b: {  	[sflag:s24] =	ssyncset.done $0x0  }
0x16c: {  	s6 =	simm.s32 @!p0 $0x4;
	[sflag:s24] =	ssyncadd.s32 $0xFFFFF800  }
0x16d: {  	_ =	swait.ge @!p0 [sflag:s6], $0x4000  }
0x16e: {  	[sflag:s6] =	ssyncset.done @!p0 $0x0  }
0x16f: {  	[sflag:s6] =	ssyncadd.s32 @!p0 $0xFFFFC000  }
0x170: {  	_ =	swait.ge @!p0 [sflag:s6], $0x4000  }
0x171: {  	[sflag:s6] =	ssyncset.done @!p0 $0x0  }
0x172: {  	s18 =	simm.s32 $0x170C0;
	[sflag:s6] =	ssyncadd.s32 @!p0 $0xFFFFC000  }
0x173: {  	v9 =	vld [tilespmem:s18+$0x30]  }
0x174: {  	v10 =	vld [tilespmem:s18+$0xFFFFFFD0]  }
0x175: {  	v11 =	vld [tilespmem:s18+$0xFFFFFFE0]  }
0x176: {  	v12 =	vld [tilespmem:s18+$0xFFFFFFF0]  }
0x177: {  	v13 =	vld [tilespmem:s18+$0x0]  }
0x178: {  	v14 =	vld [tilespmem:s18+$0x10]  }
0x179: {  	v15 =	vld [tilespmem:s18+$0x20]  }
0x17a: {  	s8 =	simm.s32 $0x0;
	s9 =	simm.s32 $0x17140;
	v16 =	vld [tilespmem:s18+$0xFFFFFFC0]  }
.LBB2_19:
0x17b: {  	s8 =	sadd.s32 $0x8, s8;
	[tilespmem:v9+s25+$0x0] =	vst.idx.msk $0xffff, v5;
	v9 =	vld [tilespmem:s9+$0x30];
	s6 =	simm.s32 $0x1040  }
0x17c: {  	p0 =	slt.u32 s8, $0xF8;
	[tilespmem:v10+s25+$0x0] =	vst.idx.msk $0xffff, v5;
	v10 =	vld [tilespmem:s9+$0xFFFFFFD0]  }
0x17d: {  	[tilespmem:v11+s25+$0x0] =	vst.idx.msk $0xffff, v5;
	v11 =	vld [tilespmem:s9+$0xFFFFFFE0]  }
.Ltmp10:
0x17e: {  	[tilespmem:v12+s25+$0x0] =	vst.idx.msk $0xffff, v5;
	v12 =	vld [tilespmem:s9+$0xFFFFFFF0];
	(pc) =	sbr.rel @p0 .LBB2_19-.Ltmp10, $4  }
0x17f: {  	[tilespmem:v13+s25+$0x0] =	vst.idx.msk $0xffff, v5;
	v13 =	vld [tilespmem:s9+$0x0]  }
0x180: {  	[tilespmem:v14+s25+$0x0] =	vst.idx.msk $0xffff, v5;
	v14 =	vld [tilespmem:s9+$0x10]  }
0x181: {  	[tilespmem:v15+s25+$0x0] =	vst.idx.msk $0xffff, v5;
	v15 =	vld [tilespmem:s9+$0x20]  }
0x182: {  	[tilespmem:v16+s25+$0x0] =	vst.idx.msk $0xffff, v5;
	v16 =	vld [tilespmem:s9+$0xFFFFFFC0];
	s9 =	sadd.s32 $0x80, s9  }
0x183: {  	_ =	sdelay $0x3  }
0x184: {  	[tilespmem:v9+s25+$0x0] =	vst.idx.msk $0xffff, v5  }
0x185: {  	[tilespmem:v10+s25+$0x0] =	vst.idx.msk $0xffff, v5  }
0x186: {  	[tilespmem:v11+s25+$0x0] =	vst.idx.msk $0xffff, v5  }
0x187: {  	[tilespmem:v12+s25+$0x0] =	vst.idx.msk $0xffff, v5  }
0x188: {  	[tilespmem:v13+s25+$0x0] =	vst.idx.msk $0xffff, v5  }
0x189: {  	[tilespmem:v14+s25+$0x0] =	vst.idx.msk $0xffff, v5  }
0x18a: {  	[tilespmem:v15+s25+$0x0] =	vst.idx.msk $0xffff, v5  }
0x18b: {  	[tilespmem:v16+s25+$0x0] =	vst.idx.msk $0xffff, v5  }
0x18c: {  	v9 =	vld [tilespmem:s6+$0xFFFFFFC0]  }
0x18d: {  	v10 =	vld [tilespmem:s6+$0xFFFFFFD0]  }
0x18e: {  	v11 =	vld [tilespmem:s6+$0xFFFFFFE0]  }
0x18f: {  	v12 =	vld [tilespmem:s6+$0xFFFFFFF0]  }
0x190: {  	v13 =	vld [tilespmem:s6+$0x0]  }
0x191: {  	v14 =	vld [tilespmem:s6+$0x10]  }
0x192: {  	v15 =	vld [tilespmem:s6+$0x20]  }
0x193: {  	v17 =	vld [tilespmem:s6+$0x30];
	_ =	sdelay $0x1  }
0x194: {  	v9 =	vadd.f32 v9, v8;
	v10 =	vadd.f32 v10, v8  }
0x195: {  	v11 =	vadd.f32 v11, v8;
	v12 =	vadd.f32 v12, v8  }
0x196: {  	v13 =	vadd.f32 v13, v8;
	v14 =	vadd.f32 v14, v8  }
0x197: {  	v15 =	vadd.f32 v15, v8;
	v17 =	vadd.f32 v17, v8  }
0x198: {  	v16 =	vand.u32 $0x7FFFFFFF, v9;
	v19 =	vand.u32 $0x7FFFFFFF, v10;
	v21 =	vand.u32 $0x7FFFFFFF, v11  }
0x199: {  	v22 =	vand.u32 $0x7FFFFFFF, v12;
	v23 =	vand.u32 $0x7FFFFFFF, v13;
	v25 =	vand.u32 $0x7FFFFFFF, v14  }
0x19a: {  	v26 =	vand.u32 $0x7FFFFFFF, v15;
	v29 =	vand.u32 $0x7FFFFFFF, v17;
	v18 =	vmul.f32 v16, v4  }
0x19b: {  	v9 =	vand.u32 $0x80000000, v9;
	v20 =	vmul.f32 v19, v4;
	v24 =	vmul.f32 v21, v4  }
0x19c: {  	v10 =	vand.u32 $0x80000000, v10;
	v27 =	vmul.f32 v23, v4;
	v18 =	vfloor.f32 v18  }
0x19d: {  	v11 =	vand.u32 $0x80000000, v11;
	v28 =	vmul.f32 v25, v4;
	v18 =	vmul.f32 $6.283185480e+00, v18  }
0x19e: {  	v12 =	vand.u32 $0x80000000, v12;
	v30 =	vmul.f32 v26, v4;
	v31 =	vmul.f32 v29, v4  }
0x19f: {  	v20 =	vfloor.f32 v20;
	v24 =	vfloor.f32 v24;
	v16 =	vsub.f32 v16, v18  }
0x1a0: {  	v13 =	vand.u32 $0x80000000, v13;
	v30 =	vfloor.f32 v30;
	v20 =	vmul.f32 $6.283185480e+00, v20  }
0x1a1: {  	v24 =	vmul.f32 $6.283185480e+00, v24;
	v18 =	vmul.f32 v22, v4;
	vm0 =	veq.f32 v16, $6.283185480e+00  }
0x1a2: {  	v19 =	vsub.f32 v19, v20;
	v20 =	vmul.f32 $6.283185480e+00, v30;
	v16 =	vsel vm0, $0x0, v16  }
0x1a3: {  	v21 =	vsub.f32 v21, v24;
	v18 =	vfloor.f32 v18;
	v16 =	vand.u32 $0x7FFFFFFF, v16  }
0x1a4: {  	v20 =	vsub.f32 v26, v20;
	vm8 =	veq.f32 v19, $6.283185480e+00;
	v9 =	vor.u32 v9, v16  }
0x1a5: {  	v16 =	vfloor.f32 v27;
	v27 =	vfloor.f32 v28;
	v28 =	vadd.f32 $6.283185480e+00, v9  }
0x1a6: {  	vm1 =	veq.f32 v21, $6.283185480e+00;
	v18 =	vmul.f32 $6.283185480e+00, v18;
	vm7 =	vlt.f32 v9, $0.0e+00  }
0x1a7: {  	v19 =	vsel vm8, $0x0, v19;
	v21 =	vsel vm1, $0x0, v21;
	v9 =	vsel vm7, v28, v9  }
0x1a8: {  	v18 =	vsub.f32 v22, v18;
	v22 =	vfloor.f32 v31;
	v28 =	vmul.f32 $1.273239490e+00, v9  }
0x1a9: {  	vm5 =	veq.f32 v20, $6.283185480e+00;
	v16 =	vmul.f32 $6.283185480e+00, v16;
	v27 =	vmul.f32 $6.283185480e+00, v27  }
0x1aa: {  	v20 =	vsel vm5, $0x0, v20;
	v22 =	vmul.f32 $6.283185480e+00, v22;
	v24 =	vtrunc.f32 v28  }
0x1ab: {  	vm3 =	veq.f32 v18, $6.283185480e+00;
	v16 =	vsub.f32 v23, v16;
	v23 =	vcvt.f32.s32 v24  }
0x1ac: {  	v20 =	vand.u32 $0x7FFFFFFF, v20;
	v22 =	vsub.f32 v29, v22;
	v18 =	vsel vm3, $0x0, v18  }
0x1ad: {  	vm0 =	vlt.f32 v9, $6.283185480e+00;
	v18 =	vand.u32 $0x7FFFFFFF, v18;
	vm2 =	vlt.s32 v23, $0x7  }
0x1ae: {  	vm4 =	veq.f32 v16, $6.283185480e+00;
	vm10 =	veq.f32 v22, $6.283185480e+00;
	v23 =	vnsel vm2, $0x7, v23  }
0x1af: {  	s10 =	simm.s32 $0x0;
	v12 =	vor.u32 v12, v18;
	v16 =	vsel vm4, $0x0, v16;
	v23 =	vshll.u32 v23, $0x7  }
0x1b0: {  	v22 =	vsel vm10, $0x0, v22;
	v24 =	vsub.f32 v25, v27;
	v23 =	vadd.s32 s10, v23  }
0x1b1: {  	vm13 =	vlt.f32 v12, $0.0e+00;
	v16 =	vand.u32 $0x7FFFFFFF, v16;
	v28 =	vadd.s32 v6, v23  }
0x1b2: {  	v16 =	vor.u32 v13, v16;
	vm9 =	veq.f32 v24, $6.283185480e+00;
	v9 =	vand.u32 $0xFFFFFF80, v28  }
0x1b3: {  	vm14 =	vlt.f32 v16, $0.0e+00;
	v23 =	vsel vm9, $0x0, v24;
	v29 =	vor.u32 v6, v9  }
0x1b4: {  	v9 =	vand.u32 $0x7FFFFFFF, v19;
	v19 =	vand.u32 $0x7FFFFFFF, v21;
	v21 =	vand.u32 $0x7FFFFFFF, v23  }
0x1b5: {  	v9 =	vor.u32 v10, v9;
	v10 =	vand.u32 $0x80000000, v14;
	v14 =	vand.u32 $0x80000000, v15  }
0x1b6: {  	v11 =	vor.u32 v11, v19;
	v15 =	vand.u32 $0x7FFFFFFF, v22;
	v10 =	vor.u32 v10, v21  }
0x1b7: {  	v18 =	vor.u32 v14, v20;
	v13 =	vadd.f32 $6.283185480e+00, v9;
	v19 =	vadd.f32 $6.283185480e+00, v11  }
0x1b8: {  	v14 =	vand.u32 $0x80000000, v17;
	v17 =	vadd.f32 $6.283185480e+00, v12;
	v20 =	vadd.f32 $6.283185480e+00, v16  }
0x1b9: {  	vm11 =	vlt.f32 v9, $0.0e+00;
	vm12 =	vlt.f32 v11, $0.0e+00;
	v21 =	vor.u32 v14, v15  }
0x1ba: {  	v22 =	vadd.f32 $6.283185480e+00, v10;
	v23 =	vadd.f32 $6.283185480e+00, v18;
	vm15 =	vlt.f32 v10, $0.0e+00  }
0x1bb: {  	vm7 =	vlt.f32 v18, $0.0e+00;
	v14 =	vsel vm11, v13, v9;
	v24 =	vadd.f32 $6.283185480e+00, v21  }
0x1bc: {  	v15 =	vsel vm12, v19, v11;
	v13 =	vsel vm13, v17, v12;
	v12 =	vsel vm14, v20, v16  }
0x1bd: {  	vm8 =	vlt.f32 v21, $0.0e+00;
	v10 =	vsel vm15, v22, v10;
	v16 =	vmul.f32 $1.273239490e+00, v14  }
0x1be: {  	v9 =	vsel vm7, v23, v18;
	v17 =	vmul.f32 $1.273239490e+00, v15;
	v18 =	vmul.f32 $1.273239490e+00, v13  }
0x1bf: {  	v22 =	vmul.f32 $1.273239490e+00, v12;
	v11 =	vsel vm8, v24, v21;
	v21 =	vmul.f32 $1.273239490e+00, v10  }
0x1c0: {  	s12 =	simm.s32 $0x10;
	v25 =	vmul.f32 $1.273239490e+00, v9;
	v16 =	vtrunc.f32 v16  }
0x1c1: {  	s8 =	simm.s32 $0x20;
	v19 =	vor.u32 s12, v6;
	v26 =	vmul.f32 $1.273239490e+00, v11;
	v17 =	vtrunc.f32 v17  }
0x1c2: {  	s19 =	simm.s32 $0x30;
	v20 =	vor.u32 s8, v6;
	v18 =	vtrunc.f32 v18;
	v27 =	vtrunc.f32 v22  }
0x1c3: {  	s29 =	simm.s32 $0x50;
	v23 =	vor.u32 s19, v6;
	v21 =	vtrunc.f32 v21;
	v16 =	vcvt.f32.s32 v16  }
0x1c4: {  	s28 =	simm.s32 $0x40;
	v24 =	vor.u32 s29, v6;
	v30 =	vtrunc.f32 v25;
	v17 =	vcvt.f32.s32 v17  }
0x1c5: {  	s30 =	simm.s32 $0x60;
	v22 =	vor.u32 s28, v6;
	v18 =	vcvt.f32.s32 v18;
	v27 =	vcvt.f32.s32 v27  }
0x1c6: {  	v25 =	vor.u32 s30, v6;
	v21 =	vcvt.f32.s32 v21;
	v30 =	vcvt.f32.s32 v30  }
0x1c7: {  	v26 =	vtrunc.f32 v26;
	vm9 =	vlt.s32 v16, $0x7;
	vm10 =	vlt.s32 v17, $0x7  }
0x1c8: {  	vm11 =	vlt.s32 v18, $0x7;
	vm12 =	vlt.s32 v27, $0x7;
	v31 =	vcvt.f32.s32 v26  }
0x1c9: {  	v16 =	vnsel vm9, $0x7, v16;
	v17 =	vnsel vm10, $0x7, v17;
	vm13 =	vlt.s32 v21, $0x7  }
0x1ca: {  	v18 =	vnsel vm11, $0x7, v18;
	vm14 =	vlt.s32 v30, $0x7;
	v26 =	vnsel vm12, $0x7, v27  }
0x1cb: {  	v21 =	vnsel vm13, $0x7, v21;
	v27 =	vnsel vm14, $0x7, v30;
	vm15 =	vlt.s32 v31, $0x7  }
0x1cc: {  	v16 =	vshll.u32 v16, $0x7;
	v17 =	vshll.u32 v17, $0x7;
	v18 =	vshll.u32 v18, $0x7  }
0x1cd: {  	v30 =	vshll.u32 v26, $0x7;
	v32 =	vshll.u32 v21, $0x7;
	v33 =	vshll.u32 v27, $0x7  }
0x1ce: {  	v27 =	vadd.s32 v19, v16;
	v26 =	vadd.s32 v20, v17;
	v31 =	vnsel vm15, $0x7, v31  }
0x1cf: {  	v21 =	vadd.s32 v23, v18;
	v18 =	vadd.s32 v22, v30;
	v17 =	vadd.s32 v24, v32  }
0x1d0: {  	v32 =	vand.u32 $0xFFFFFF80, v27;
	v16 =	vadd.s32 v25, v33;
	v35 =	vshll.u32 v31, $0x7  }
0x1d1: {  	s8 =	simm.s32 $0x70;
	[tilespmem:v29+s25+$0x0] =	vst.idx.msk vm0, v7;
	v34 =	vand.u32 $0xFFFFFF80, v26;
	v33 =	vand.u32 $0xFFFFFF80, v21;
	v31 =	vand.u32 $0xFFFFFF80, v18  }
0x1d2: {  	s9 =	simm.s32 $0x0;
	s10 =	simm.s32 $0x10C0;
	[tilespmem:s18+$0xFFFFFFC0] =	vst v28;
	v30 =	vand.u32 $0xFFFFFF80, v17;
	v29 =	vand.u32 $0xFFFFFF80, v16;
	v28 =	vadd.s32 s8, v35  }
.LBB2_21:
0x1d3: {  	v35 =	vld [tilespmem:s10+$0xFFFFFFC0];
	v19 =	vand.u32 $0x1F, v19;
	v20 =	vand.u32 $0x2F, v20;
	v23 =	vand.u32 $0x3F, v23  }
0x1d4: {  	s9 =	sadd.s32 $0x8, s9;
	v22 =	vand.u32 $0x4F, v22;
	v24 =	vand.u32 $0x5F, v24;
	v25 =	vand.u32 $0x6F, v25;
	v36 =	vld [tilespmem:s10+$0xFFFFFFD0]  }
0x1d5: {  	p0 =	slt.u32 s9, $0xF8;
	v19 =	vor.u32 v19, v32;
	v20 =	vor.u32 v20, v34;
	v23 =	vor.u32 v23, v33;
	v37 =	vld [tilespmem:s10+$0xFFFFFFE0]  }
0x1d6: {  	v22 =	vor.u32 v22, v31;
	v24 =	vor.u32 v24, v30;
	v25 =	vor.u32 v25, v29;
	v32 =	vld [tilespmem:s10+$0xFFFFFFF0]  }
0x1d7: {  	vm6 =	vlt.f32 v14, $6.283185480e+00;
	vm5 =	vlt.f32 v15, $6.283185480e+00;
	v15 =	vadd.s32 v6, v28;
	v29 =	vld [tilespmem:s10+$0x0]  }
0x1d8: {  	vm4 =	vlt.f32 v13, $6.283185480e+00;
	vm3 =	vlt.f32 v12, $6.283185480e+00;
	v28 =	vadd.f32 v35, v8;
	v14 =	vld [tilespmem:s10+$0x10]  }
0x1d9: {  	vm2 =	vlt.f32 v10, $6.283185480e+00;
	vm1 =	vlt.f32 v9, $6.283185480e+00;
	v12 =	vadd.f32 v36, v8;
	v30 =	vld [tilespmem:s10+$0x20]  }
0x1da: {  	vm0 =	vlt.f32 v11, $6.283185480e+00;
	v31 =	vand.u32 $0x7FFFFFFF, v28;
	v9 =	vadd.f32 v37, v8;
	v10 =	vld [tilespmem:s10+$0x30]  }
0x1db: {  	v33 =	vmul.f32 v31, v4;
	v34 =	vand.u32 $0x7FFFFFFF, v12;
	v11 =	vadd.f32 v32, v8  }
0x1dc: {  	v32 =	vmul.f32 v34, v4;
	v35 =	vand.u32 $0x7FFFFFFF, v9;
	v13 =	vadd.f32 v29, v8  }
0x1dd: {  	v29 =	vfloor.f32 v33;
	v33 =	vand.u32 $0x7FFFFFFF, v11;
	v14 =	vadd.f32 v14, v8;
	[tilespmem:v19+s25+$0x0] =	vst.idx.msk vm6, v7  }
0x1de: {  	v19 =	vmul.f32 $6.283185480e+00, v29;
	v29 =	vand.u32 $0x7FFFFFFF, v13;
	v30 =	vadd.f32 v30, v8;
	[tilespmem:s18+$0xFFFFFFD0] =	vst v27  }
0x1df: {  	v27 =	vmul.f32 v35, v4;
	v36 =	vand.u32 $0x7FFFFFFF, v14;
	v10 =	vadd.f32 v10, v8;
	[tilespmem:v20+s25+$0x0] =	vst.idx.msk vm5, v7  }
0x1e0: {  	v20 =	vmul.f32 v33, v4;
	v19 =	vsub.f32 v31, v19;
	v31 =	vand.u32 $0x7FFFFFFF, v30;
	[tilespmem:s18+$0xFFFFFFE0] =	vst v26  }
0x1e1: {  	v26 =	vmul.f32 v29, v4;
	v37 =	vmul.f32 v36, v4;
	v38 =	vand.u32 $0x7FFFFFFF, v10;
	[tilespmem:v23+s25+$0x0] =	vst.idx.msk vm4, v7  }
0x1e2: {  	v23 =	vmul.f32 v31, v4;
	vm4 =	veq.f32 v19, $6.283185480e+00;
	v39 =	vmul.f32 v38, v4;
	[tilespmem:s18+$0xFFFFFFF0] =	vst v21  }
0x1e3: {  	v27 =	vfloor.f32 v27;
	v21 =	vfloor.f32 v32;
	v19 =	vsel vm4, $0x0, v19;
	[tilespmem:v22+s25+$0x0] =	vst.idx.msk vm3, v7  }
0x1e4: {  	v20 =	vfloor.f32 v20;
	v22 =	vand.u32 $0x80000000, v28;
	v19 =	vand.u32 $0x7FFFFFFF, v19;
	[tilespmem:s18+$0x0] =	vst v18  }
0x1e5: {  	v18 =	vor.u32 v22, v19;
	v19 =	vfloor.f32 v26;
	v22 =	vfloor.f32 v37;
	[tilespmem:v24+s25+$0x0] =	vst.idx.msk vm2, v7  }
0x1e6: {  	v21 =	vmul.f32 $6.283185480e+00, v21;
	v23 =	vfloor.f32 v23;
	v24 =	vadd.f32 $6.283185480e+00, v18;
	[tilespmem:s18+$0x10] =	vst v17  }
0x1e7: {  	v20 =	vmul.f32 $6.283185480e+00, v20;
	vm2 =	vlt.f32 v18, $0.0e+00;
	v17 =	vmul.f32 $6.283185480e+00, v27;
	[tilespmem:v25+s25+$0x0] =	vst.idx.msk vm1, v7  }
0x1e8: {  	v19 =	vmul.f32 $6.283185480e+00, v19;
	v22 =	vmul.f32 $6.283185480e+00, v22;
	v18 =	vsel vm2, v24, v18;
	[tilespmem:s18+$0x20] =	vst v16  }
0x1e9: {  	v23 =	vmul.f32 $6.283185480e+00, v23;
	v21 =	vsub.f32 v34, v21;
	v16 =	vmul.f32 $1.273239490e+00, v18;
	[tilespmem:v15+s25+$0x0] =	vst.idx.msk vm0, v7  }
0x1ea: {  	v20 =	vsub.f32 v33, v20;
	v17 =	vsub.f32 v35, v17;
	v24 =	vfloor.f32 v39;
	[tilespmem:s18+$0x30] =	vst v15  }
0x1eb: {  	v15 =	vtrunc.f32 v16;
	v16 =	vsub.f32 v29, v19;
	v19 =	vmul.f32 $6.283185480e+00, v24  }
0x1ec: {  	v23 =	vsub.f32 v31, v23;
	v22 =	vsub.f32 v36, v22;
	v15 =	vcvt.f32.s32 v15  }
0x1ed: {  	vm0 =	veq.f32 v21, $6.283185480e+00;
	vm1 =	veq.f32 v17, $6.283185480e+00;
	v19 =	vsub.f32 v38, v19  }
0x1ee: {  	vm3 =	veq.f32 v20, $6.283185480e+00;
	vm4 =	veq.f32 v16, $6.283185480e+00;
	vm2 =	vlt.s32 v15, $0x7  }
0x1ef: {  	s8 =	sadd.s32 $0x400, s8;
	vm5 =	veq.f32 v23, $6.283185480e+00;
	v15 =	vnsel vm2, $0x7, v15;
	vm2 =	veq.f32 v22, $6.283185480e+00  }
0x1f0: {  	s6 =	sadd.s32 $0xFFFFFF90, s8;
	s19 =	sadd.s32 $0xFFFFFFA0, s8;
	s30 =	sadd.s32 $0xFFFFFFB0, s8;
	v21 =	vsel vm0, $0x0, v21;
	v17 =	vsel vm1, $0x0, v17;
	v15 =	vshll.u32 v15, $0x7  }
0x1f1: {  	s29 =	sadd.s32 $0xFFFFFFC0, s8;
	s28 =	sadd.s32 $0xFFFFFFD0, s8;
	s12 =	sadd.s32 $0xFFFFFFE0, s8;
	v20 =	vsel vm3, $0x0, v20;
	v16 =	vsel vm4, $0x0, v16;
	v15 =	vadd.s32 s6, v15  }
0x1f2: {  	v23 =	vsel vm5, $0x0, v23;
	v22 =	vsel vm2, $0x0, v22;
	s6 =	sadd.s32 $0xFFFFFFF0, s8;
	v15 =	vadd.s32 v6, v15  }
0x1f3: {  	vm0 =	vlt.f32 v18, $6.283185480e+00;
	vm1 =	veq.f32 v19, $6.283185480e+00;
	v18 =	vand.u32 $0xFFFFFF80, v15  }
0x1f4: {  	v21 =	vand.u32 $0x7FFFFFFF, v21;
	v17 =	vand.u32 $0x7FFFFFFF, v17;
	v18 =	vor.u32 v6, v18  }
0x1f5: {  	v20 =	vand.u32 $0x7FFFFFFF, v20;
	v16 =	vand.u32 $0x7FFFFFFF, v16;
	v22 =	vand.u32 $0x7FFFFFFF, v22  }
0x1f6: {  	v12 =	vand.u32 $0x80000000, v12;
	v23 =	vand.u32 $0x7FFFFFFF, v23;
	v19 =	vsel vm1, $0x0, v19  }
0x1f7: {  	v9 =	vand.u32 $0x80000000, v9;
	v11 =	vand.u32 $0x80000000, v11;
	v13 =	vand.u32 $0x80000000, v13  }
0x1f8: {  	v14 =	vand.u32 $0x80000000, v14;
	v12 =	vor.u32 v12, v21;
	v21 =	vand.u32 $0x80000000, v30  }
0x1f9: {  	v11 =	vor.u32 v11, v20;
	s18 =	sadd.s32 $0x80, s18;
	v9 =	vor.u32 v9, v17;
	v17 =	vand.u32 $0x7FFFFFFF, v19;
	[tilespmem:v18+s25+$0x0] =	vst.idx.msk vm0, v7  }
0x1fa: {  	v16 =	vor.u32 v13, v16;
	v19 =	vor.u32 v21, v23;
	v18 =	vor.u32 v14, v22;
	[tilespmem:s18+$0xFFFFFFC0] =	vst v15  }
0x1fb: {  	v10 =	vand.u32 $0x80000000, v10;
	v13 =	vadd.f32 $6.283185480e+00, v12;
	v15 =	vadd.f32 $6.283185480e+00, v9  }
0x1fc: {  	v20 =	vadd.f32 $6.283185480e+00, v11;
	v21 =	vadd.f32 $6.283185480e+00, v16;
	v17 =	vor.u32 v10, v17  }
0x1fd: {  	vm0 =	vlt.f32 v12, $0.0e+00;
	v22 =	vadd.f32 $6.283185480e+00, v19;
	v10 =	vadd.f32 $6.283185480e+00, v18  }
0x1fe: {  	vm1 =	vlt.f32 v9, $0.0e+00;
	vm2 =	vlt.f32 v11, $0.0e+00;
	vm3 =	vlt.f32 v16, $0.0e+00  }
0x1ff: {  	vm5 =	vlt.f32 v19, $0.0e+00;
	v23 =	vadd.f32 $6.283185480e+00, v17;
	vm4 =	vlt.f32 v18, $0.0e+00  }
0x200: {  	v14 =	vsel vm0, v13, v12;
	v13 =	vsel vm2, v20, v11;
	v15 =	vsel vm1, v15, v9  }
0x201: {  	v12 =	vsel vm3, v21, v16;
	v10 =	vsel vm4, v10, v18;
	v9 =	vsel vm5, v22, v19  }
0x202: {  	vm0 =	vlt.f32 v17, $0.0e+00;
	v16 =	vmul.f32 $1.273239490e+00, v14;
	v18 =	vmul.f32 $1.273239490e+00, v15  }
0x203: {  	v21 =	vmul.f32 $1.273239490e+00, v13;
	v11 =	vsel vm0, v23, v17;
	v22 =	vmul.f32 $1.273239490e+00, v12  }
0x204: {  	v19 =	vor.u32 s19, v6;
	v17 =	vmul.f32 $1.273239490e+00, v10;
	v25 =	vmul.f32 $1.273239490e+00, v9  }
0x205: {  	v20 =	vor.u32 s30, v6;
	v26 =	vmul.f32 $1.273239490e+00, v11;
	v16 =	vtrunc.f32 v16  }
0x206: {  	v23 =	vor.u32 s29, v6;
	v21 =	vtrunc.f32 v21;
	v18 =	vtrunc.f32 v18  }
0x207: {  	v27 =	vtrunc.f32 v22;
	v22 =	vor.u32 s28, v6;
	v17 =	vtrunc.f32 v17  }
0x208: {  	v24 =	vor.u32 s12, v6;
	v16 =	vcvt.f32.s32 v16;
	v28 =	vtrunc.f32 v25  }
0x209: {  	v21 =	vcvt.f32.s32 v21;
	v25 =	vor.u32 s6, v6;
	v18 =	vcvt.f32.s32 v18  }
0x20a: {  	v27 =	vcvt.f32.s32 v27;
	vm0 =	vlt.s32 v16, $0x7;
	v17 =	vcvt.f32.s32 v17  }
0x20b: {  	v26 =	vtrunc.f32 v26;
	v28 =	vcvt.f32.s32 v28;
	vm1 =	vlt.s32 v18, $0x7  }
0x20c: {  	v29 =	vcvt.f32.s32 v26;
	vm2 =	vlt.s32 v21, $0x7;
	vm3 =	vlt.s32 v27, $0x7  }
0x20d: {  	v16 =	vnsel vm0, $0x7, v16;
	vm0 =	vlt.s32 v17, $0x7;
	vm4 =	vlt.s32 v28, $0x7  }
0x20e: {  	v21 =	vnsel vm2, $0x7, v21;
	v26 =	vnsel vm3, $0x7, v27;
	v18 =	vnsel vm1, $0x7, v18  }
0x20f: {  	v17 =	vnsel vm0, $0x7, v17;
	v27 =	vnsel vm4, $0x7, v28;
	vm0 =	vlt.s32 v29, $0x7  }
0x210: {  	v16 =	vshll.u32 v16, $0x7;
	v21 =	vshll.u32 v21, $0x7;
	v18 =	vshll.u32 v18, $0x7  }
0x211: {  	v28 =	vshll.u32 v26, $0x7;
	v17 =	vshll.u32 v17, $0x7;
	v30 =	vshll.u32 v27, $0x7  }
.Ltmp11:
0x212: {  	v27 =	vadd.s32 v19, v16;
	v29 =	vnsel vm0, $0x7, v29;
	v26 =	vadd.s32 v20, v18;
	(pc) =	sbr.rel @p0 .LBB2_21-.Ltmp11, $4  }
0x213: {  	v21 =	vadd.s32 v23, v21;
	v18 =	vadd.s32 v22, v28;
	v17 =	vadd.s32 v24, v17  }
0x214: {  	v32 =	vand.u32 $0xFFFFFF80, v27;
	v16 =	vadd.s32 v25, v30;
	v28 =	vshll.u32 v29, $0x7  }
0x215: {  	v33 =	vand.u32 $0xFFFFFF80, v21;
	v34 =	vand.u32 $0xFFFFFF80, v26;
	v31 =	vand.u32 $0xFFFFFF80, v18  }
0x216: {  	s10 =	sadd.s32 $0x80, s10;
	v30 =	vand.u32 $0xFFFFFF80, v17;
	v29 =	vand.u32 $0xFFFFFF80, v16;
	v28 =	vadd.s32 s8, v28  }
0x217: {  	v19 =	vand.u32 $0x1F, v19;
	vm0 =	vlt.f32 v14, $6.283185480e+00  }
0x218: {  	v56 =	vand.u32 $0x2F, v20;
	vm1 =	vlt.f32 v15, $6.283185480e+00;
	v55 =	vor.u32 v19, v32  }
0x219: {  	v58 =	vand.u32 $0x3F, v23;
	vm2 =	vlt.f32 v13, $6.283185480e+00;
	v57 =	vor.u32 v56, v34  }
0x21a: {  	v60 =	vand.u32 $0x4F, v22;
	vm3 =	vlt.f32 v12, $6.283185480e+00;
	v59 =	vor.u32 v58, v33  }
0x21b: {  	v62 =	vand.u32 $0x5F, v24;
	vm13 =	vlt.f32 v10, $6.283185480e+00;
	v61 =	vor.u32 v60, v31  }
0x21c: {  	v63 =	vand.u32 $0x6F, v25;
	vm14 =	vlt.f32 v9, $6.283185480e+00;
	v10 =	vor.u32 v62, v30  }
0x21d: {  	vm15 =	vlt.f32 v11, $6.283185480e+00;
	v9 =	vor.u32 v63, v29;
	[tilespmem:v55+s25+$0x0] =	vst.idx.msk vm0, v7  }
0x21e: {  	v11 =	vadd.s32 v6, v28;
	[tilespmem:v57+s25+$0x0] =	vst.idx.msk vm1, v7  }
0x21f: {  	[tilespmem:v59+s25+$0x0] =	vst.idx.msk vm2, v7  }
0x220: {  	[tilespmem:v61+s25+$0x0] =	vst.idx.msk vm3, v7  }
0x221: {  	[tilespmem:v10+s25+$0x0] =	vst.idx.msk vm13, v7  }
0x222: {  	[tilespmem:v9+s25+$0x0] =	vst.idx.msk vm14, v7  }
0x223: {  	[tilespmem:v11+s25+$0x0] =	vst.idx.msk vm15, v7  }
0x224: {  	[tilespmem:s18+$0xFFFFFFD0] =	vst v27  }
0x225: {  	[tilespmem:s18+$0xFFFFFFE0] =	vst v26  }
0x226: {  	[tilespmem:s18+$0xFFFFFFF0] =	vst v21  }
0x227: {  	[tilespmem:s18+$0x0] =	vst v18  }
0x228: {  	[tilespmem:s18+$0x10] =	vst v17  }
.Ltmp12:
0x229: {  	s4 =	sor.u32 $0x1000, s4;
	[tilespmem:s18+$0x20] =	vst v16;
	(pc) =	sbr.rel @p1 .LBB2_24-.Ltmp12, $4  }
0x22a: {  	s6 =	sadd.s32 s2, s4;
	[tilespmem:s18+$0x30] =	vst v11  }
0x22b: {  	[hbm4b:s6+s3] =	stream.linear.scatter [tilespmem:s25], [sflag:$0x4], $0x4000, $0x38;
	[tilespmem:$0x18080] =	vst v63  }
0x22c: {  	s4 =	sadd.s32 s4, s11  }
0x22d: {  	[hbm4b:s4+s3] =	stream.linear.scatter [tilespmem:s26], [sflag:$0x4], $0x4000, $0x38;
	[tilespmem:$0x18080] =	vst v63  }
0x22e: {  	s0 =	sadd.s32 $0x3, s0  }
0x22f: {  	s4 =	sshll.u32 s0, $0x9;
	s0 =	sshll.u32 s0, $0x5  }
0x230: {  	s4 =	sadd.s32 s5, s4;
	s0 =	sand.u32 $0x60, s0  }
.Ltmp13:
0x231: {  	s4 =	sand.u32 $0x1FF800, s4;
	s0 =	sadd.s32 s1, s0;
	(pc) =	sbr.rel .LBB2_14-.Ltmp13, $4  }
0x232: {  	s30 =	simm.s32 $0x1000;
	s0 =	sadd.s32 s4, s0  }
0x233: {  	[tilespmem:s30], [sflag:$0x2] =	stream.strided.gather [hbm4b:s0+s16], $0x800, s17, s16, $0x38;
	[tilespmem:$0x18080] =	vst v63  }
0x234: {  	s31 =	sadd.s32 $0x1, s31;
	s0 =	sadd.s32 $0x10, s0  }
0x235: {  	[tilespmem:s20], [sflag:$0x2] =	stream.strided.gather [hbm4b:s0+s16], $0x800, s17, s16, $0x38;
	[tilespmem:$0x18080] =	vst v63  }
.LBB2_25:
0x236: {  	_ =	sfence.sel $0x180000  }
0x237: {  	[bflag:$0x0] =	sbarrier.arrive $0xFFFF  }
0x238: {  	_ =	strace $0x90000047  }
0x239: {  	s0 =	stileid.u32;
	[bflag:$0x2] =	sbarrier.arrive $0xFFFF  }
0x23a: {  	p0 =	sne.s32 s0, $0x0;
	s0 =	rddreg [dreg:$0x2]  }
0x23b: {  	s0 =	sadd.s32 @!p0 $0x100000, s0  }
0x23c: {  	[sflag:s0] =	ssyncadd.tile.s32 @!p0 $0x1;
	_ =	shalt  }
.Lfunc_end2:
_tile_overlayer_lowered:
.L_overlay_start_2:
0x23d: {  	(tag) =	ssettag $0x2  }
0x23e: {  	s0 =	rddreg [dreg:$0x0];
	s2 =	stileid.u32  }
0x23f: {  	s1 =	rddreg [dreg:$0x1];
	p0 =	sne.s32 s2, $0x0  }
0x240: {  	s3 =	rddreg [dreg:$0x2];
	[bflag:$0x3] =	sbarrier.arrive $0xFFFF;
	s2 =	simm.s32 @!p0 $0x1C05  }
0x241: {  	[timem:s3], [sflag:s2] =	dma.local @!p0 [hbm:s0], s1  }
0x242: {  	s0 =	simm.s32 @!p0 $0x5  }
0x243: {  	_ =	swait.ge @!p0 [sflag:s0], s1  }
0x244: {  	s1 =	ssub.s32 @!p0 $0x0, s1;
	[sflag:s0] =	ssyncset.done @!p0 $0x0  }
0x245: {  	[sflag:s0] =	ssyncadd.s32 @!p0 s1  }
0x246: {  	[bflag:$0x3] =	sbarrier.arrive $0xFFFF  }
0x247: {  	_ =	shalt  }

</sc_bundles>
